<compile_context>
chip_gen: v7x
topology: tpu7x:2x2x1
jax: 0.10.2.dev20260603
libtpu: 0.0.44.dev20260713+nightly
codegen_flags: <defaults>
</compile_context>

<pallas_src>
import functools

import jax
import jax.numpy as jnp
from jax import lax
from jax.experimental import pallas as pl
from jax.experimental.pallas import tpu as pltpu
from jax.experimental.pallas import tpu_sc as plsc


def _gather_fn(n_edges: int, n_nodes: int, window: int):
  info = plsc.get_sparse_core_info()
  nc, ns = info.num_cores, info.num_subcores
  nw = nc * ns
  per_worker = n_edges // nw
  assert per_worker * nw == n_edges
  nwin = per_worker // window
  assert nwin * window == per_worker
  ngrp = (3 * window) // 48
  assert ngrp * 48 == 3 * window

  mesh = plsc.VectorSubcoreMesh(core_axis_name="c", subcore_axis_name="s")

  @functools.partial(
      pl.kernel,
      mesh=mesh,
      compiler_params=pltpu.CompilerParams(
          use_tc_tiling_on_sc=False, needs_layout_passes=False
      ),
      out_type=jax.ShapeDtypeStruct((n_edges, 3), jnp.float32),
      scratch_types=[
          pltpu.VMEM((window,), jnp.int32),
          pltpu.VMEM((window, 8), jnp.float32),
          pltpu.VMEM((window, 3), jnp.float32),
          pltpu.VMEM_SHARED((n_nodes, 8), jnp.float32),
          pltpu.SemaphoreType.DMA,
      ],
  )
  def run(tab_hbm, ei_hbm, out_hbm, idx_v, rows_v, outb_v, ptab, sem):
    sid = lax.axis_index("s")
    wid = sid * nc + lax.axis_index("c")
    base = wid * per_worker

    @pl.when(sid == 0)
    def _stage():
      pltpu.sync_copy(tab_hbm, ptab)

    plsc.subcore_barrier()

    lane = lax.iota(jnp.int32, 16)
    e_pat = [lax.div(lane + 16 * k, 3) for k in range(3)]
    c_pat = [lax.rem(lane + 16 * k, 3) for k in range(3)]

    kk = 10

    def window_body(w, carry):
      start = base + w * window
      pltpu.sync_copy(ei_hbm.at[0, pl.ds(start, window)], idx_v)

      def fire_body(t, c2):
        for k in range(kk):
          off = 16 * (kk * t + k)
          vec = idx_v[pl.ds(off, 16)]
          pltpu.async_copy(ptab.at[vec], rows_v.at[pl.ds(off, 16)], sem)
        off = 16 * kk * t
        pltpu.make_async_copy(
            tab_hbm.at[pl.ds(0, 16 * kk)],
            rows_v.at[pl.ds(off, 16 * kk)], sem).wait()
        return c2

      lax.fori_loop(0, window // (16 * kk), fire_body, 0)

      def grp_body(g, c2):
        for k in range(3):
          e_vec = e_pat[k] + 16 * g
          v = plsc.load_gather(rows_v, [e_vec, c_pat[k]])
          plsc.store_scatter(outb_v, [e_vec, c_pat[k]], v)
        return c2

      lax.fori_loop(0, ngrp, grp_body, 0)
      pltpu.sync_copy(outb_v, out_hbm.at[pl.ds(start, window)])
      return carry

    lax.fori_loop(0, nwin, window_body, 0)

  return run


def kernel(pos, edge_index):
  n_nodes = pos.shape[0]
  n_edges = edge_index.shape[1]
  run = _gather_fn(n_edges, n_nodes, window=4000)
  tab = jnp.pad(pos, ((0, 0), (0, 5)))
  return run(tab, edge_index.astype(jnp.int32))

# --- scband reference (transcript-rebuilt; emitter-appended) ---
"""Pipeline reference for scband-edge-permute-module-89670327206105 (READ-ONLY COPY).

The authoritative reference and input builder live on the scoring server;
editing this copy changes nothing except your own understanding.
"""

import jax, jax.numpy as jnp
import numpy as np

N_NODES = 100000
N_EDGES = 6400000

def setup_inputs(seed: int = 0) -> dict:
    key = jax.random.key(seed)
    k_pos, k_ei = jax.random.split(key)
    pos = jax.random.normal(k_pos, (N_NODES, 3), dtype=jnp.float32)
    edge_index = jax.random.randint(k_ei, (2, N_EDGES), 0, N_NODES, dtype=jnp.int64 if jax.config.jax_enable_x64 else jnp.int32)
    return {"pos": pos, "edge_index": edge_index}

def reference(pos, edge_index):
    # data['my_edge'] = positions[edge_index[0]]
    my_edge = jnp.take(pos, edge_index[0], axis=0)
    return my_edge

if __name__ == "__main__":
    import jax
    _d = setup_inputs()
    print(jax.jit(kernel)(*tuple(_d.values())))

</pallas_src>

<mosaic_0001>
#map = affine_map<(d0, d1) -> (0, 0)>
module attributes {stable_mosaic.version = 14 : i64} {
  func.func @run(%arg0: i32, %arg1: i32, %arg2: memref<100000x8xf32, #tpu.memory_space<hbm>>, %arg3: memref<2x6400000xi32, #tpu.memory_space<hbm>>, %arg4: memref<6400000x3xf32, #tpu.memory_space<hbm>>, %arg5: memref<4000xi32, #tpu.memory_space<vmem>>, %arg6: memref<4000x8xf32, #tpu.memory_space<vmem>>, %arg7: memref<4000x3xf32, #tpu.memory_space<vmem>>, %arg8: memref<100000x8xf32, #tpu.memory_space<vmem_shared>>, %arg9: memref<!tpu.dma_semaphore, #tpu.memory_space<semaphore_mem>>) attributes {dimension_semantics = [#tpu.dimension_semantics<core_parallel>, #tpu.dimension_semantics<subcore_parallel>], iteration_bounds = array<i64: 2, 16>, scalar_prefetch = 0 : i64, scratch_operands = 5 : i64, tpu.core_type = #tpu.core_type<sc_vector_subcore>, window_params = [{transform_indices = #map}, {transform_indices = #map}, {transform_indices = #map}]} {
    %mul3A = arith.constant 2 : i32
    %mul3A_0 = arith.muli %arg1, %mul3A : i32
    %add3A = arith.addi %mul3A_0, %arg0 : i32
    %mul3A_1 = arith.constant 200000 : i32
    %mul3A_2 = arith.muli %add3A, %mul3A_1 : i32
    %eq3A = arith.constant 0 : i32
    %eq3A_3 = arith.cmpi eq, %arg1, %eq3A : i32
    %convert_element_type3A = arith.extui %eq3A_3 : i1 to i32
    %cond3A = arith.constant 0 : i32
    %cond3A_4 = arith.cmpi ne, %convert_element_type3A, %cond3A : i32
    scf.if %cond3A_4 {
      "tpu.region"() ({
        %run_scoped3A = tpu.sem_alloc : memref<!tpu.dma_semaphore, #tpu.memory_space<semaphore_mem>>
        tpu.enqueue_dma source(%arg2 : memref<100000x8xf32, #tpu.memory_space<hbm>>) target(%arg8 : memref<100000x8xf32, #tpu.memory_space<vmem_shared>>) target_semaphore(%run_scoped3A : memref<!tpu.dma_semaphore, #tpu.memory_space<semaphore_mem>>)
        tpu.wait_dma2 semaphore(%run_scoped3A : memref<!tpu.dma_semaphore, #tpu.memory_space<semaphore_mem>>) src(%arg2 : memref<100000x8xf32, #tpu.memory_space<hbm>>) dst(%arg8 : memref<100000x8xf32, #tpu.memory_space<vmem_shared>>)
        tpu.yield
      }) : () -> ()
    } else {
    }
    %barrier3A = arith.constant 0 : index
    tpu.barrier barrier_id(%barrier3A)
    %iota3A = tpu.iota {dimensions = array<i32: 0>} : vector<16xi32>
    %add3A_5 = arith.constant 0 : i32
    %add3A_6 = vector.broadcast %add3A_5 : i32 to vector<16xi32>
    %add3A_7 = arith.addi %iota3A, %add3A_6 : vector<16xi32>
    %div3A = arith.constant 3 : i32
    %div3A_8 = vector.broadcast %div3A : i32 to vector<16xi32>
    %div3A_9 = arith.divsi %add3A_7, %div3A_8 : vector<16xi32>
    %add3A_10 = arith.constant 16 : i32
    %add3A_11 = vector.broadcast %add3A_10 : i32 to vector<16xi32>
    %add3A_12 = arith.addi %iota3A, %add3A_11 : vector<16xi32>
    %div3A_13 = arith.constant 3 : i32
    %div3A_14 = vector.broadcast %div3A_13 : i32 to vector<16xi32>
    %div3A_15 = arith.divsi %add3A_12, %div3A_14 : vector<16xi32>
    %add3A_16 = arith.constant 32 : i32
    %add3A_17 = vector.broadcast %add3A_16 : i32 to vector<16xi32>
    %add3A_18 = arith.addi %iota3A, %add3A_17 : vector<16xi32>
    %div3A_19 = arith.constant 3 : i32
    %div3A_20 = vector.broadcast %div3A_19 : i32 to vector<16xi32>
    %div3A_21 = arith.divsi %add3A_18, %div3A_20 : vector<16xi32>
    %add3A_22 = arith.constant 0 : i32
    %add3A_23 = vector.broadcast %add3A_22 : i32 to vector<16xi32>
    %add3A_24 = arith.addi %iota3A, %add3A_23 : vector<16xi32>
    %rem3A = arith.constant 3 : i32
    %rem3A_25 = vector.broadcast %rem3A : i32 to vector<16xi32>
    %rem3A_26 = arith.remsi %add3A_24, %rem3A_25 : vector<16xi32>
    %add3A_27 = arith.constant 16 : i32
    %add3A_28 = vector.broadcast %add3A_27 : i32 to vector<16xi32>
    %add3A_29 = arith.addi %iota3A, %add3A_28 : vector<16xi32>
    %rem3A_30 = arith.constant 3 : i32
    %rem3A_31 = vector.broadcast %rem3A_30 : i32 to vector<16xi32>
    %rem3A_32 = arith.remsi %add3A_29, %rem3A_31 : vector<16xi32>
    %add3A_33 = arith.constant 32 : i32
    %add3A_34 = vector.broadcast %add3A_33 : i32 to vector<16xi32>
    %add3A_35 = arith.addi %iota3A, %add3A_34 : vector<16xi32>
    %rem3A_36 = arith.constant 3 : i32
    %rem3A_37 = vector.broadcast %rem3A_36 : i32 to vector<16xi32>
    %rem3A_38 = arith.remsi %add3A_35, %rem3A_37 : vector<16xi32>
    %scan3A = arith.constant 0 : i32
    %scan3A_39 = arith.constant 0 : i32
    %scan3A_40 = arith.constant 50 : i32
    %scan3A_41 = arith.addi %scan3A_39, %scan3A_40 : i32
    %scan3A_42 = arith.constant 1 : i32
    scf.for %scan3A_44 = %scan3A_39 to %scan3A_41 step %scan3A_42  : i32 {
      %mul3A_45 = arith.constant 4000 : i32
      %mul3A_46 = arith.muli %scan3A_44, %mul3A_45 : i32
      %add3A_47 = arith.addi %mul3A_2, %mul3A_46 : i32
      %run_scoped3A = arith.constant 0 : i32
      "tpu.region"() ({
        %run_scoped3A_60 = tpu.sem_alloc : memref<!tpu.dma_semaphore, #tpu.memory_space<semaphore_mem>>
        %dma_start3A = tpu.memref_slice %arg3[%run_scoped3A, %add3A_47] : memref<2x6400000xi32, #tpu.memory_space<hbm>> -> memref<1x4000xi32, #tpu.memory_space<hbm>>
        %dma_start3A_61 = tpu.memref_squeeze %dma_start3A : memref<1x4000xi32, #tpu.memory_space<hbm>> -> memref<4000xi32, #tpu.memory_space<hbm>>
        %dma_start3A_62 = tpu.memref_slice %arg3[%run_scoped3A, %add3A_47] : memref<2x6400000xi32, #tpu.memory_space<hbm>> -> memref<1x4000xi32, #tpu.memory_space<hbm>>
        %dma_start3A_63 = tpu.memref_squeeze %dma_start3A_62 : memref<1x4000xi32, #tpu.memory_space<hbm>> -> memref<4000xi32, #tpu.memory_space<hbm>>
        tpu.enqueue_dma source(%dma_start3A_63 : memref<4000xi32, #tpu.memory_space<hbm>>) target(%arg5 : memref<4000xi32, #tpu.memory_space<vmem>>) target_semaphore(%run_scoped3A_60 : memref<!tpu.dma_semaphore, #tpu.memory_space<semaphore_mem>>)
        %dma_wait3A = tpu.memref_slice %arg3[%run_scoped3A, %add3A_47] : memref<2x6400000xi32, #tpu.memory_space<hbm>> -> memref<1x4000xi32, #tpu.memory_space<hbm>>
        %dma_wait3A_64 = tpu.memref_squeeze %dma_wait3A : memref<1x4000xi32, #tpu.memory_space<hbm>> -> memref<4000xi32, #tpu.memory_space<hbm>>
        %dma_wait3A_65 = tpu.memref_slice %arg3[%run_scoped3A, %add3A_47] : memref<2x6400000xi32, #tpu.memory_space<hbm>> -> memref<1x4000xi32, #tpu.memory_space<hbm>>
        %dma_wait3A_66 = tpu.memref_squeeze %dma_wait3A_65 : memref<1x4000xi32, #tpu.memory_space<hbm>> -> memref<4000xi32, #tpu.memory_space<hbm>>
        tpu.wait_dma2 semaphore(%run_scoped3A_60 : memref<!tpu.dma_semaphore, #tpu.memory_space<semaphore_mem>>) src(%dma_wait3A_66 : memref<4000xi32, #tpu.memory_space<hbm>>) dst(%arg5 : memref<4000xi32, #tpu.memory_space<vmem>>)
        tpu.yield
      }) : () -> ()
      %scan3A_48 = arith.constant 0 : i32
      %scan3A_49 = arith.constant 0 : i32
      %scan3A_50 = arith.constant 25 : i32
      %scan3A_51 = arith.addi %scan3A_49, %scan3A_50 : i32
      %scan3A_52 = arith.constant 1 : i32
      scf.for %scan3A_60 = %scan3A_49 to %scan3A_51 step %scan3A_52  : i32 {
        %mul3A_61 = arith.constant 10 : i32
        %mul3A_62 = arith.muli %mul3A_61, %scan3A_60 : i32
        %add3A_63 = arith.constant 0 : i32
        %add3A_64 = arith.addi %mul3A_62, %add3A_63 : i32
        %mul3A_65 = arith.constant 16 : i32
        %mul3A_66 = arith.muli %mul3A_65, %add3A_64 : i32
        %get3A = arith.index_cast %mul3A_66 : i32 to index
        %get3A_67 = tpu.vector_load %arg5[%get3A] {strides = array<i32>} : memref<4000xi32, #tpu.memory_space<vmem>>, vector<16xi32>,
        %dma_start3A = arith.constant 0 : i32
        %dma_start3A_68 = tpu.memref_slice %arg6[%mul3A_66, %dma_start3A] : memref<4000x8xf32, #tpu.memory_space<vmem>> -> memref<16x8xf32, #tpu.memory_space<vmem>>
        %dma_start3A_69 = arith.constant 0 : i32
        %dma_start3A_70 = arith.constant 0 : i32
        %dma_start3A_71 = tpu.memref_slice %arg8[%dma_start3A_69, %dma_start3A_70] : memref<100000x8xf32, #tpu.memory_space<vmem_shared>> -> memref<100000x8xf32, #tpu.memory_space<vmem_shared>>
        tpu.enqueue_indirect_dma source(%dma_start3A_71 : memref<100000x8xf32, #tpu.memory_space<vmem_shared>>) target(%dma_start3A_68 : memref<16x8xf32, #tpu.memory_space<vmem>>) offsets(%get3A_67 : vector<16xi32>) semaphore(%arg9 : memref<!tpu.dma_semaphore, #tpu.memory_space<semaphore_mem>>)
        %mul3A_72 = arith.constant 10 : i32
        %mul3A_73 = arith.muli %mul3A_72, %scan3A_60 : i32
        %add3A_74 = arith.constant 1 : i32
        %add3A_75 = arith.addi %mul3A_73, %add3A_74 : i32
        %mul3A_76 = arith.constant 16 : i32
        %mul3A_77 = arith.muli %mul3A_76, %add3A_75 : i32
        %get3A_78 = arith.index_cast %mul3A_77 : i32 to index
        %get3A_79 = tpu.vector_load %arg5[%get3A_78] {strides = array<i32>} : memref<4000xi32, #tpu.memory_space<vmem>>, vector<16xi32>,
        %dma_start3A_80 = arith.constant 0 : i32
        %dma_start3A_81 = tpu.memref_slice %arg6[%mul3A_77, %dma_start3A_80] : memref<4000x8xf32, #tpu.memory_space<vmem>> -> memref<16x8xf32, #tpu.memory_space<vmem>>
        %dma_start3A_82 = arith.constant 0 : i32
        %dma_start3A_83 = arith.constant 0 : i32
        %dma_start3A_84 = tpu.memref_slice %arg8[%dma_start3A_82, %dma_start3A_83] : memref<100000x8xf32, #tpu.memory_space<vmem_shared>> -> memref<100000x8xf32, #tpu.memory_space<vmem_shared>>
        tpu.enqueue_indirect_dma source(%dma_start3A_84 : memref<100000x8xf32, #tpu.memory_space<vmem_shared>>) target(%dma_start3A_81 : memref<16x8xf32, #tpu.memory_space<vmem>>) offsets(%get3A_79 : vector<16xi32>) semaphore(%arg9 : memref<!tpu.dma_semaphore, #tpu.memory_space<semaphore_mem>>)
        %mul3A_85 = arith.constant 10 : i32
        %mul3A_86 = arith.muli %mul3A_85, %scan3A_60 : i32
        %add3A_87 = arith.constant 2 : i32
        %add3A_88 = arith.addi %mul3A_86, %add3A_87 : i32
        %mul3A_89 = arith.constant 16 : i32
        %mul3A_90 = arith.muli %mul3A_89, %add3A_88 : i32
        %get3A_91 = arith.index_cast %mul3A_90 : i32 to index
        %get3A_92 = tpu.vector_load %arg5[%get3A_91] {strides = array<i32>} : memref<4000xi32, #tpu.memory_space<vmem>>, vector<16xi32>,
        %dma_start3A_93 = arith.constant 0 : i32
        %dma_start3A_94 = tpu.memref_slice %arg6[%mul3A_90, %dma_start3A_93] : memref<4000x8xf32, #tpu.memory_space<vmem>> -> memref<16x8xf32, #tpu.memory_space<vmem>>
        %dma_start3A_95 = arith.constant 0 : i32
        %dma_start3A_96 = arith.constant 0 : i32
        %dma_start3A_97 = tpu.memref_slice %arg8[%dma_start3A_95, %dma_start3A_96] : memref<100000x8xf32, #tpu.memory_space<vmem_shared>> -> memref<100000x8xf32, #tpu.memory_space<vmem_shared>>
        tpu.enqueue_indirect_dma source(%dma_start3A_97 : memref<100000x8xf32, #tpu.memory_space<vmem_shared>>) target(%dma_start3A_94 : memref<16x8xf32, #tpu.memory_space<vmem>>) offsets(%get3A_92 : vector<16xi32>) semaphore(%arg9 : memref<!tpu.dma_semaphore, #tpu.memory_space<semaphore_mem>>)
        %mul3A_98 = arith.constant 10 : i32
        %mul3A_99 = arith.muli %mul3A_98, %scan3A_60 : i32
        %add3A_100 = arith.constant 3 : i32
        %add3A_101 = arith.addi %mul3A_99, %add3A_100 : i32
        %mul3A_102 = arith.constant 16 : i32
        %mul3A_103 = arith.muli %mul3A_102, %add3A_101 : i32
        %get3A_104 = arith.index_cast %mul3A_103 : i32 to index
        %get3A_105 = tpu.vector_load %arg5[%get3A_104] {strides = array<i32>} : memref<4000xi32, #tpu.memory_space<vmem>>, vector<16xi32>,
        %dma_start3A_106 = arith.constant 0 : i32
        %dma_start3A_107 = tpu.memref_slice %arg6[%mul3A_103, %dma_start3A_106] : memref<4000x8xf32, #tpu.memory_space<vmem>> -> memref<16x8xf32, #tpu.memory_space<vmem>>
        %dma_start3A_108 = arith.constant 0 : i32
        %dma_start3A_109 = arith.constant 0 : i32
        %dma_start3A_110 = tpu.memref_slice %arg8[%dma_start3A_108, %dma_start3A_109] : memref<100000x8xf32, #tpu.memory_space<vmem_shared>> -> memref<100000x8xf32, #tpu.memory_space<vmem_shared>>
        tpu.enqueue_indirect_dma source(%dma_start3A_110 : memref<100000x8xf32, #tpu.memory_space<vmem_shared>>) target(%dma_start3A_107 : memref<16x8xf32, #tpu.memory_space<vmem>>) offsets(%get3A_105 : vector<16xi32>) semaphore(%arg9 : memref<!tpu.dma_semaphore, #tpu.memory_space<semaphore_mem>>)
        %mul3A_111 = arith.constant 10 : i32
        %mul3A_112 = arith.muli %mul3A_111, %scan3A_60 : i32
        %add3A_113 = arith.constant 4 : i32
        %add3A_114 = arith.addi %mul3A_112, %add3A_113 : i32
        %mul3A_115 = arith.constant 16 : i32
        %mul3A_116 = arith.muli %mul3A_115, %add3A_114 : i32
        %get3A_117 = arith.index_cast %mul3A_116 : i32 to index
        %get3A_118 = tpu.vector_load %arg5[%get3A_117] {strides = array<i32>} : memref<4000xi32, #tpu.memory_space<vmem>>, vector<16xi32>,
        %dma_start3A_119 = arith.constant 0 : i32
        %dma_start3A_120 = tpu.memref_slice %arg6[%mul3A_116, %dma_start3A_119] : memref<4000x8xf32, #tpu.memory_space<vmem>> -> memref<16x8xf32, #tpu.memory_space<vmem>>
        %dma_start3A_121 = arith.constant 0 : i32
        %dma_start3A_122 = arith.constant 0 : i32
        %dma_start3A_123 = tpu.memref_slice %arg8[%dma_start3A_121, %dma_start3A_122] : memref<100000x8xf32, #tpu.memory_space<vmem_shared>> -> memref<100000x8xf32, #tpu.memory_space<vmem_shared>>
        tpu.enqueue_indirect_dma source(%dma_start3A_123 : memref<100000x8xf32, #tpu.memory_space<vmem_shared>>) target(%dma_start3A_120 : memref<16x8xf32, #tpu.memory_space<vmem>>) offsets(%get3A_118 : vector<16xi32>) semaphore(%arg9 : memref<!tpu.dma_semaphore, #tpu.memory_space<semaphore_mem>>)
        %mul3A_124 = arith.constant 10 : i32
        %mul3A_125 = arith.muli %mul3A_124, %scan3A_60 : i32
        %add3A_126 = arith.constant 5 : i32
        %add3A_127 = arith.addi %mul3A_125, %add3A_126 : i32
        %mul3A_128 = arith.constant 16 : i32
        %mul3A_129 = arith.muli %mul3A_128, %add3A_127 : i32
        %get3A_130 = arith.index_cast %mul3A_129 : i32 to index
        %get3A_131 = tpu.vector_load %arg5[%get3A_130] {strides = array<i32>} : memref<4000xi32, #tpu.memory_space<vmem>>, vector<16xi32>,
        %dma_start3A_132 = arith.constant 0 : i32
        %dma_start3A_133 = tpu.memref_slice %arg6[%mul3A_129, %dma_start3A_132] : memref<4000x8xf32, #tpu.memory_space<vmem>> -> memref<16x8xf32, #tpu.memory_space<vmem>>
        %dma_start3A_134 = arith.constant 0 : i32
        %dma_start3A_135 = arith.constant 0 : i32
        %dma_start3A_136 = tpu.memref_slice %arg8[%dma_start3A_134, %dma_start3A_135] : memref<100000x8xf32, #tpu.memory_space<vmem_shared>> -> memref<100000x8xf32, #tpu.memory_space<vmem_shared>>
        tpu.enqueue_indirect_dma source(%dma_start3A_136 : memref<100000x8xf32, #tpu.memory_space<vmem_shared>>) target(%dma_start3A_133 : memref<16x8xf32, #tpu.memory_space<vmem>>) offsets(%get3A_131 : vector<16xi32>) semaphore(%arg9 : memref<!tpu.dma_semaphore, #tpu.memory_space<semaphore_mem>>)
        %mul3A_137 = arith.constant 10 : i32
        %mul3A_138 = arith.muli %mul3A_137, %scan3A_60 : i32
        %add3A_139 = arith.constant 6 : i32
        %add3A_140 = arith.addi %mul3A_138, %add3A_139 : i32
        %mul3A_141 = arith.constant 16 : i32
        %mul3A_142 = arith.muli %mul3A_141, %add3A_140 : i32
        %get3A_143 = arith.index_cast %mul3A_142 : i32 to index
        %get3A_144 = tpu.vector_load %arg5[%get3A_143] {strides = array<i32>} : memref<4000xi32, #tpu.memory_space<vmem>>, vector<16xi32>,
        %dma_start3A_145 = arith.constant 0 : i32
        %dma_start3A_146 = tpu.memref_slice %arg6[%mul3A_142, %dma_start3A_145] : memref<4000x8xf32, #tpu.memory_space<vmem>> -> memref<16x8xf32, #tpu.memory_space<vmem>>
        %dma_start3A_147 = arith.constant 0 : i32
        %dma_start3A_148 = arith.constant 0 : i32
        %dma_start3A_149 = tpu.memref_slice %arg8[%dma_start3A_147, %dma_start3A_148] : memref<100000x8xf32, #tpu.memory_space<vmem_shared>> -> memref<100000x8xf32, #tpu.memory_space<vmem_shared>>
        tpu.enqueue_indirect_dma source(%dma_start3A_149 : memref<100000x8xf32, #tpu.memory_space<vmem_shared>>) target(%dma_start3A_146 : memref<16x8xf32, #tpu.memory_space<vmem>>) offsets(%get3A_144 : vector<16xi32>) semaphore(%arg9 : memref<!tpu.dma_semaphore, #tpu.memory_space<semaphore_mem>>)
        %mul3A_150 = arith.constant 10 : i32
        %mul3A_151 = arith.muli %mul3A_150, %scan3A_60 : i32
        %add3A_152 = arith.constant 7 : i32
        %add3A_153 = arith.addi %mul3A_151, %add3A_152 : i32
        %mul3A_154 = arith.constant 16 : i32
        %mul3A_155 = arith.muli %mul3A_154, %add3A_153 : i32
        %get3A_156 = arith.index_cast %mul3A_155 : i32 to index
        %get3A_157 = tpu.vector_load %arg5[%get3A_156] {strides = array<i32>} : memref<4000xi32, #tpu.memory_space<vmem>>, vector<16xi32>,
        %dma_start3A_158 = arith.constant 0 : i32
        %dma_start3A_159 = tpu.memref_slice %arg6[%mul3A_155, %dma_start3A_158] : memref<4000x8xf32, #tpu.memory_space<vmem>> -> memref<16x8xf32, #tpu.memory_space<vmem>>
        %dma_start3A_160 = arith.constant 0 : i32
        %dma_start3A_161 = arith.constant 0 : i32
        %dma_start3A_162 = tpu.memref_slice %arg8[%dma_start3A_160, %dma_start3A_161] : memref<100000x8xf32, #tpu.memory_space<vmem_shared>> -> memref<100000x8xf32, #tpu.memory_space<vmem_shared>>
        tpu.enqueue_indirect_dma source(%dma_start3A_162 : memref<100000x8xf32, #tpu.memory_space<vmem_shared>>) target(%dma_start3A_159 : memref<16x8xf32, #tpu.memory_space<vmem>>) offsets(%get3A_157 : vector<16xi32>) semaphore(%arg9 : memref<!tpu.dma_semaphore, #tpu.memory_space<semaphore_mem>>)
        %mul3A_163 = arith.constant 10 : i32
        %mul3A_164 = arith.muli %mul3A_163, %scan3A_60 : i32
        %add3A_165 = arith.constant 8 : i32
        %add3A_166 = arith.addi %mul3A_164, %add3A_165 : i32
        %mul3A_167 = arith.constant 16 : i32
        %mul3A_168 = arith.muli %mul3A_167, %add3A_166 : i32
        %get3A_169 = arith.index_cast %mul3A_168 : i32 to index
        %get3A_170 = tpu.vector_load %arg5[%get3A_169] {strides = array<i32>} : memref<4000xi32, #tpu.memory_space<vmem>>, vector<16xi32>,
        %dma_start3A_171 = arith.constant 0 : i32
        %dma_start3A_172 = tpu.memref_slice %arg6[%mul3A_168, %dma_start3A_171] : memref<4000x8xf32, #tpu.memory_space<vmem>> -> memref<16x8xf32, #tpu.memory_space<vmem>>
        %dma_start3A_173 = arith.constant 0 : i32
        %dma_start3A_174 = arith.constant 0 : i32
        %dma_start3A_175 = tpu.memref_slice %arg8[%dma_start3A_173, %dma_start3A_174] : memref<100000x8xf32, #tpu.memory_space<vmem_shared>> -> memref<100000x8xf32, #tpu.memory_space<vmem_shared>>
        tpu.enqueue_indirect_dma source(%dma_start3A_175 : memref<100000x8xf32, #tpu.memory_space<vmem_shared>>) target(%dma_start3A_172 : memref<16x8xf32, #tpu.memory_space<vmem>>) offsets(%get3A_170 : vector<16xi32>) semaphore(%arg9 : memref<!tpu.dma_semaphore, #tpu.memory_space<semaphore_mem>>)
        %mul3A_176 = arith.constant 10 : i32
        %mul3A_177 = arith.muli %mul3A_176, %scan3A_60 : i32
        %add3A_178 = arith.constant 9 : i32
        %add3A_179 = arith.addi %mul3A_177, %add3A_178 : i32
        %mul3A_180 = arith.constant 16 : i32
        %mul3A_181 = arith.muli %mul3A_180, %add3A_179 : i32
        %get3A_182 = arith.index_cast %mul3A_181 : i32 to index
        %get3A_183 = tpu.vector_load %arg5[%get3A_182] {strides = array<i32>} : memref<4000xi32, #tpu.memory_space<vmem>>, vector<16xi32>,
        %dma_start3A_184 = arith.constant 0 : i32
        %dma_start3A_185 = tpu.memref_slice %arg6[%mul3A_181, %dma_start3A_184] : memref<4000x8xf32, #tpu.memory_space<vmem>> -> memref<16x8xf32, #tpu.memory_space<vmem>>
        %dma_start3A_186 = arith.constant 0 : i32
        %dma_start3A_187 = arith.constant 0 : i32
        %dma_start3A_188 = tpu.memref_slice %arg8[%dma_start3A_186, %dma_start3A_187] : memref<100000x8xf32, #tpu.memory_space<vmem_shared>> -> memref<100000x8xf32, #tpu.memory_space<vmem_shared>>
        tpu.enqueue_indirect_dma source(%dma_start3A_188 : memref<100000x8xf32, #tpu.memory_space<vmem_shared>>) target(%dma_start3A_185 : memref<16x8xf32, #tpu.memory_space<vmem>>) offsets(%get3A_183 : vector<16xi32>) semaphore(%arg9 : memref<!tpu.dma_semaphore, #tpu.memory_space<semaphore_mem>>)
        %mul3A_189 = arith.constant 160 : i32
        %mul3A_190 = arith.muli %mul3A_189, %scan3A_60 : i32
        %dma_wait3A = arith.constant 0 : i32
        %dma_wait3A_191 = tpu.memref_slice %arg6[%mul3A_190, %dma_wait3A] : memref<4000x8xf32, #tpu.memory_space<vmem>> -> memref<160x8xf32, #tpu.memory_space<vmem>>
        %dma_wait3A_192 = arith.constant 0 : i32
        %dma_wait3A_193 = arith.constant 0 : i32
        %dma_wait3A_194 = tpu.memref_slice %arg2[%dma_wait3A_192, %dma_wait3A_193] : memref<100000x8xf32, #tpu.memory_space<hbm>> -> memref<160x8xf32, #tpu.memory_space<hbm>>
        %dma_wait3A_195 = arith.constant 0 : i32
        %dma_wait3A_196 = tpu.memref_slice %arg6[%mul3A_190, %dma_wait3A_195] : memref<4000x8xf32, #tpu.memory_space<vmem>> -> memref<160x8xf32, #tpu.memory_space<vmem>>
        %dma_wait3A_197 = arith.constant 0 : i32
        %dma_wait3A_198 = arith.constant 0 : i32
        %dma_wait3A_199 = tpu.memref_slice %arg2[%dma_wait3A_197, %dma_wait3A_198] : memref<100000x8xf32, #tpu.memory_space<hbm>> -> memref<160x8xf32, #tpu.memory_space<hbm>>
        tpu.wait_dma2 semaphore(%arg9 : memref<!tpu.dma_semaphore, #tpu.memory_space<semaphore_mem>>) src(%dma_wait3A_199 : memref<160x8xf32, #tpu.memory_space<hbm>>) dst(%dma_wait3A_196 : memref<160x8xf32, #tpu.memory_space<vmem>>)
      }
      %scan3A_53 = arith.constant 25 : i32
      %scan3A_54 = arith.constant 0 : i32
      %scan3A_55 = arith.constant 0 : i32
      %scan3A_56 = arith.constant 250 : i32
      %scan3A_57 = arith.addi %scan3A_55, %scan3A_56 : i32
      %scan3A_58 = arith.constant 1 : i32
      scf.for %scan3A_60 = %scan3A_55 to %scan3A_57 step %scan3A_58  : i32 {
        %mul3A_61 = arith.constant 16 : i32
        %mul3A_62 = arith.muli %mul3A_61, %scan3A_60 : i32
        %add3A_63 = vector.broadcast %mul3A_62 : i32 to vector<16xi32>
        %add3A_64 = arith.addi %div3A_9, %add3A_63 : vector<16xi32>
        %gather3A = tpu.vector_load_idx %arg6[%add3A_64, %rem3A_26] : memref<4000x8xf32, #tpu.memory_space<vmem>>[vector<16xi32>, vector<16xi32>], vector<16xf32>,
        tpu.vector_store_idx %arg7[%add3A_64, %rem3A_26], %gather3A : memref<4000x3xf32, #tpu.memory_space<vmem>>[vector<16xi32>, vector<16xi32>], vector<16xf32>,
        %mul3A_65 = arith.constant 16 : i32
        %mul3A_66 = arith.muli %mul3A_65, %scan3A_60 : i32
        %add3A_67 = vector.broadcast %mul3A_66 : i32 to vector<16xi32>
        %add3A_68 = arith.addi %div3A_15, %add3A_67 : vector<16xi32>
        %gather3A_69 = tpu.vector_load_idx %arg6[%add3A_68, %rem3A_32] : memref<4000x8xf32, #tpu.memory_space<vmem>>[vector<16xi32>, vector<16xi32>], vector<16xf32>,
        tpu.vector_store_idx %arg7[%add3A_68, %rem3A_32], %gather3A_69 : memref<4000x3xf32, #tpu.memory_space<vmem>>[vector<16xi32>, vector<16xi32>], vector<16xf32>,
        %mul3A_70 = arith.constant 16 : i32
        %mul3A_71 = arith.muli %mul3A_70, %scan3A_60 : i32
        %add3A_72 = vector.broadcast %mul3A_71 : i32 to vector<16xi32>
        %add3A_73 = arith.addi %div3A_21, %add3A_72 : vector<16xi32>
        %gather3A_74 = tpu.vector_load_idx %arg6[%add3A_73, %rem3A_38] : memref<4000x8xf32, #tpu.memory_space<vmem>>[vector<16xi32>, vector<16xi32>], vector<16xf32>,
        tpu.vector_store_idx %arg7[%add3A_73, %rem3A_38], %gather3A_74 : memref<4000x3xf32, #tpu.memory_space<vmem>>[vector<16xi32>, vector<16xi32>], vector<16xf32>,
      }
      %scan3A_59 = arith.constant 250 : i32
      "tpu.region"() ({
        %run_scoped3A_60 = tpu.sem_alloc : memref<!tpu.dma_semaphore, #tpu.memory_space<semaphore_mem>>
        %dma_start3A = arith.constant 0 : i32
        %dma_start3A_61 = tpu.memref_slice %arg4[%add3A_47, %dma_start3A] : memref<6400000x3xf32, #tpu.memory_space<hbm>> -> memref<4000x3xf32, #tpu.memory_space<hbm>>
        %dma_start3A_62 = arith.constant 0 : i32
        %dma_start3A_63 = tpu.memref_slice %arg4[%add3A_47, %dma_start3A_62] : memref<6400000x3xf32, #tpu.memory_space<hbm>> -> memref<4000x3xf32, #tpu.memory_space<hbm>>
        tpu.enqueue_dma source(%arg7 : memref<4000x3xf32, #tpu.memory_space<vmem>>) target(%dma_start3A_63 : memref<4000x3xf32, #tpu.memory_space<hbm>>) target_semaphore(%run_scoped3A_60 : memref<!tpu.dma_semaphore, #tpu.memory_space<semaphore_mem>>)
        %dma_wait3A = arith.constant 0 : i32
        %dma_wait3A_64 = tpu.memref_slice %arg4[%add3A_47, %dma_wait3A] : memref<6400000x3xf32, #tpu.memory_space<hbm>> -> memref<4000x3xf32, #tpu.memory_space<hbm>>
        %dma_wait3A_65 = arith.constant 0 : i32
        %dma_wait3A_66 = tpu.memref_slice %arg4[%add3A_47, %dma_wait3A_65] : memref<6400000x3xf32, #tpu.memory_space<hbm>> -> memref<4000x3xf32, #tpu.memory_space<hbm>>
        tpu.wait_dma2 semaphore(%run_scoped3A_60 : memref<!tpu.dma_semaphore, #tpu.memory_space<semaphore_mem>>) src(%arg7 : memref<4000x3xf32, #tpu.memory_space<vmem>>) dst(%dma_wait3A_66 : memref<4000x3xf32, #tpu.memory_space<hbm>>)
        tpu.yield
      }) : () -> ()
    }
    %scan3A_43 = arith.constant 50 : i32
    return
  }
}

</mosaic_0001>

<sc_bundles>
// kernel: kernel.3.cloned.1.call-start
scs
__scs_entry_jumppad:
0x0: {  	(pc) =	sbr.rel $0x88, $3  }
0x1: {  	(tag) =	ssettag $0x0;
	lr =	simm.s32 $0x1  }
0x2: {  	[smem:$0x3F9F] =	sst lr;
	_ =	strace $0xD0000000  }
0x3: {  	_ = 	snop  }
0x4: {  	_ = 	snop  }
0x5: {  	_ = 	snop  }
0x6: {  	_ = 	snop  }
0x7: {  	_ = 	snop  }
__scs_overlays_trampoline_lowered:
0x8: {  	[smem:$0x3FAE] =	sst s0  }
0x9: {  	[smem:$0x3FAF] =	sst s1  }
0xa: {  	[smem:$0x3FB0] =	sst s2  }
0xb: {  	[smem:$0x3FB1] =	sst s3  }
0xc: {  	[smem:$0x3FB2] =	sst s4  }
0xd: {  	[smem:$0x3FB3] =	sst s5  }
0xe: {  	[smem:$0x3FB4] =	sst s6  }
0xf: {  	[smem:$0x3FB5] =	sst s7  }
0x10: {  	[smem:$0x3FB6] =	sst s8  }
0x11: {  	[smem:$0x3FB7] =	sst s9;
	s0 =	simm.s32 @!p0 $0x0  }
0x12: {  	s1 =	sld [smem:$0x3F9D];
	s0 =	simm.s32 @p0 $0x1  }
0x13: {  	[smem:$0x3FB8] =	sst s0;
	s0 =	simm.s32 @!p1 $0x0  }
0x14: {  	s2 =	sld [smem:$0x3F9C];
	s0 =	simm.s32 @p1 $0x1  }
0x15: {  	[smem:$0x3FB9] =	sst s0;
	s0 =	simm.s32 @!p2 $0x0  }
0x16: {  	s3 =	sld [smem:$0x3FDB];
	s0 =	simm.s32 @p2 $0x1  }
0x17: {  	s4 =	simm.s32 $0x1BF5;
	[smem:$0x3FBB] =	sst s0  }
0x18: {  	s0 =	sld [smem:$0x3F9E];
	_ =	swait.ge [sflag:s4], $0x0  }
0x19: {  	s7 =	sld [smem:$0x3F9F]  }
0x1a: {  	s8 =	sadd.s32 $0xFFFFE003, lr  }
0x1b: {  	s9 =	sadd.s32 $0xFFFFFEF7, lr;
	s5 =	simm.s32 $0xFFFFFFFF;
	p2 =	slt.u32 s8, $0xFFFFF086  }
0x1c: {  	p1 =	slt.u32 s9, $0xF7A;
	s5 =	simm.s32 @!p2 $0x0  }
0x1d: {  	s5 =	simm.s32 @p1 $0x1;
	p0 =	seq.s32 s7, s2  }
0x1e: {  	s7 =	smul.u32 @!p0 $0xF7A, s2;
	p2 =	seq.s32 @!p0 s5, $0x0  }
0x1f: {  	s9 =	smul.u32 $0xF7A, s1;
	s8 =	simm.s32 @!p0 $0x1BF5;
	p2 =	por !p2, p0  }
0x20: {  	[sflag:s8] =	ssyncset.s32 @!p0 $0xFFFFF086;
	s6 =	sadd.s32 @!p0 s3, s7;
	s7 =	simm.s32 @!p0 $0x108  }
0x21: {  	s3 =	sadd.s32 s3, s9;
	s6 =	sadd.s32 @!p0 $0x88, s6;
	s7 =	simm.s32 @p2 $0x1082  }
0x22: {  	[simem:s7], [sflag:s8] =	dma.local @!p0 [hbm:s6], $0xF7A  }
0x23: {  	s9 =	sor.u32 $0xD0000000, s2;
	s6 =	simm.s32 $0x108;
	_ =	swait.ge @!p0 [sflag:s8], $0x0  }
0x24: {  	s3 =	sadd.s32 $0x88, s3;
	s6 =	simm.s32 @!p1 $0x1082;
	[sflag:s4] =	ssyncset.s32 $0xFFFFF086  }
0x25: {  	[simem:s6], [sflag:s4] =	dma.local [hbm:s3], $0xF7A  }
0x26: {  	[smem:$0x3F9F] =	sst s1;
	(tag) =	ssettag s2;
	_ =	strace s9  }
0x27: {  	s1 =	sld [smem:$0x3FAF]  }
0x28: {  	s2 =	sld [smem:$0x3FB0]  }
0x29: {  	s4 =	sld [smem:$0x3FB2]  }
0x2a: {  	p0 =	seq.s32 s5, $0x0;
	s5 =	sld [smem:$0x3FB3]  }
0x2b: {  	s6 =	sld [smem:$0x3FB4]  }
0x2c: {  	s7 =	sld [smem:$0x3FB5]  }
0x2d: {  	s3 =	simm.s32 $0x108;
	s8 =	sld [smem:$0x3FB6]  }
0x2e: {  	s3 =	simm.s32 @!p0 $0x1082;
	s9 =	sld [smem:$0x3FB7]  }
0x2f: {  	lr =	sadd.s32 s0, s3;
	s0 =	sld [smem:$0x3FAE]  }
0x30: {  	s3 =	sld [smem:$0x3FB1]  }
0x31: {  	[smem:$0x3FBA] =	sst s10  }
0x32: {  	s10 =	sld [smem:$0x3FB8];
	_ =	sdelay $0x3  }
0x33: {  	p0 =	seq.s32 s10, $0x1;
	s10 =	sld [smem:$0x3FBA];
	_ =	sdelay $0x3  }
0x34: {  	[smem:$0x3FBA] =	sst s10  }
0x35: {  	s10 =	sld [smem:$0x3FB9];
	_ =	sdelay $0x3  }
0x36: {  	p1 =	seq.s32 s10, $0x1;
	s10 =	sld [smem:$0x3FBA];
	_ =	sdelay $0x3  }
0x37: {  	[smem:$0x3FBA] =	sst s10  }
0x38: {  	s10 =	sld [smem:$0x3FBB]  }
0x39: {  	_ = 	snop;
	(pc) =	sbr.ind lr, $3  }
0x3a: {  	_ = 	snop  }
0x3b: {  	_ = 	snop  }
0x3c: {  	p2 =	seq.s32 s10, $0x1;
	s10 =	sld [smem:$0x3FBA]  }
0x3d: {  	_ =	shalt  }
0x3e: {  	_ =	shalt  }
0x3f: {  	_ =	shalt  }
0x40: {  	_ =	shalt  }
0x41: {  	_ =	shalt  }
0x42: {  	_ =	shalt  }
0x43: {  	_ =	shalt  }
0x44: {  	_ =	shalt  }
0x45: {  	_ =	shalt  }
0x46: {  	_ =	shalt  }
0x47: {  	_ =	shalt  }
0x48: {  	_ =	shalt  }
0x49: {  	_ =	shalt  }
0x4a: {  	_ =	shalt  }
0x4b: {  	_ =	shalt  }
0x4c: {  	_ =	shalt  }
0x4d: {  	_ =	shalt  }
0x4e: {  	_ =	shalt  }
0x4f: {  	_ =	shalt  }
0x50: {  	_ =	shalt  }
0x51: {  	_ =	shalt  }
0x52: {  	_ =	shalt  }
0x53: {  	_ =	shalt  }
0x54: {  	_ =	shalt  }
0x55: {  	_ =	shalt  }
0x56: {  	_ =	shalt  }
0x57: {  	_ =	shalt  }
0x58: {  	_ =	shalt  }
0x59: {  	_ =	shalt  }
0x5a: {  	_ =	shalt  }
0x5b: {  	_ =	shalt  }
0x5c: {  	_ =	shalt  }
0x5d: {  	_ =	shalt  }
0x5e: {  	_ =	shalt  }
0x5f: {  	_ =	shalt  }
0x60: {  	_ =	shalt  }
0x61: {  	_ =	shalt  }
0x62: {  	_ =	shalt  }
0x63: {  	_ =	shalt  }
0x64: {  	_ =	shalt  }
0x65: {  	_ =	shalt  }
0x66: {  	_ =	shalt  }
0x67: {  	_ =	shalt  }
0x68: {  	_ =	shalt  }
0x69: {  	_ =	shalt  }
0x6a: {  	_ =	shalt  }
0x6b: {  	_ =	shalt  }
0x6c: {  	_ =	shalt  }
0x6d: {  	_ =	shalt  }
0x6e: {  	_ =	shalt  }
0x6f: {  	_ =	shalt  }
0x70: {  	_ =	shalt  }
0x71: {  	_ =	shalt  }
0x72: {  	_ =	shalt  }
0x73: {  	_ =	shalt  }
0x74: {  	_ =	shalt  }
0x75: {  	_ =	shalt  }
0x76: {  	_ =	shalt  }
0x77: {  	_ =	shalt  }
0x78: {  	_ =	shalt  }
0x79: {  	_ =	shalt  }
0x7a: {  	_ =	shalt  }
0x7b: {  	_ =	shalt  }
0x7c: {  	_ =	shalt  }
0x7d: {  	_ =	shalt  }
0x7e: {  	_ =	shalt  }
0x7f: {  	_ =	shalt  }
0x80: {  	_ =	shalt  }
0x81: {  	_ =	shalt  }
0x82: {  	_ =	shalt  }
0x83: {  	_ =	shalt  }
0x84: {  	_ =	shalt  }
0x85: {  	_ =	shalt  }
0x86: {  	_ =	shalt  }
0x87: {  	_ =	shalt  }
.Lfunc_end0:
.L_simem_size_0:
called_computation.2_lowered:
.L_overlay_start_0:
0x88: {  	s2 =	sld [smem:$0x3FD9]  }
0x89: {  	s3 =	sld [smem:$0x3FFE];
	_ =	sdelay $0x1  }
0x8a: {  	s1 =	srdreg.scid  }
0x8b: {  	s0 =	sand.u32 $0x1, s1  }
0x8c: {  	s17 =	sshll.u32 s0, $0xA;
	s2 =	sadd.s32 s3, s2  }
0x8d: {  	s2 =	sadd.s32 s2, s17  }
0x8e: {  	[smem:$0x3FC6] =	sst s2  }
0x8f: {  	_ = 	snop  }
0x90: {  	s2 =	sld [smem:$0x3FD0];
	(tm) =	ssettm $0x1  }
0x91: {  	s18 =	sld [smem:$0x3FFB];
	_ =	sdelay $0x3  }
0x92: {  	_ =	strace s18  }
0x93: {  	s3 =	sld [smem:$0x3FFC];
	_ =	sdelay $0x3  }
0x94: {  	_ =	strace s3  }
0x95: {  	s3 =	sld [smem:$0x3FFD];
	_ =	sdelay $0x3  }
0x96: {  	_ =	strace s3  }
0x97: {  	_ =	strace $0x8FFFFFFF  }
0x98: {  	s19 =	sld [smem:$0x3FDB];
	_ =	sdelay $0x1  }
0x99: {  	s4 =	simm.s32 $_scs_section_size  }
0x9a: {  	s5 =	simm.s32 $_size__tile_overlayer_lowered;
	s6 =	simm.s32 $_tile_overlayer_lowered  }
0x9b: {  	s22 =	simm.s32 $0x1BFF;
	s21 =	sshll.u32 s6, $0x1;
	s3 =	sadd.s32 s4, s19  }
0x9c: {  	s7 =	simm.s32 $0x0;
	s20 =	sshll.u32 s5, $0x1;
	s5 =	sadd.s32 s21, s3  }
0x9d: {  	[timem:s7], [sflag:s22] =	dma.local [hbm:s5], s20  }
0x9e: {  	_ =	swait.ge [sflag:s22], s20  }
0x9f: {  	s4 =	ssub.s32 $0x0, s20;
	[sflag:s22] =	ssyncset.done $0x0  }
0xa0: {  	[sflag:s22] =	ssyncadd.s32 s4;
	_ =	sdelay $0x1  }
0xa1: {  	s23 =	simm.s32 $0x1B8B  }
0xa2: {  	_ =	swait.ge [sflag:s23], $0x1  }
0xa3: {  	[sflag:s23] =	ssyncset.done $0x0  }
0xa4: {  	s25 =	simm.s32 $0x1B8E;
	s24 =	sld [smem:$0x3FFE];
	[sflag:s23] =	ssyncadd.s32 $0xFFFFFFFF  }
0xa5: {  	s26 =	simm.s32 $execute0_lowered;
	[smem:$0x3FD2] =	sst s25  }
0xa6: {  	s5 =	sshll.u32 s26, $0x1;
	_ =	strace $0x80000049;
	[dreg:$0x1] =	wrdreg $0xFFFFFFFF  }
0xa7: {  	s28 =	simm.s32 $_size_execute0_lowered;
	s3 =	sadd.s32 s3, s5;
	[dreg:$0x0] =	wrdreg $0x0  }
0xa8: {  	s5 =	sshll.u32 s28, $0x1;
	[dreg:$0x2] =	wrdreg s3  }
0xa9: {  	[dreg:$0x3] =	wrdreg s5  }
0xaa: {  	[dreg:$0x4] =	wrdreg $0xC0  }
0xab: {  	_ =	task [dreg:s7], $0x5FFFF  }
0xac: {  	[dreg:$0x1] =	wrdreg $0xFFFFFFFF  }
0xad: {  	[dreg:$0x0] =	wrdreg $0x60  }
0xae: {  	[dreg:$0x2] =	wrdreg s2  }
0xaf: {  	[dreg:$0x3] =	wrdreg s24  }
0xb0: {  	[dreg:$0x4] =	wrdreg $0x109A00  }
0xb1: {  	[dreg:$0x5] =	wrdreg $0x9  }
0xb2: {  	_ =	task.clear_ibuf [dreg:s7], $0x6FFFF;
	_ =	strace $0x90000049  }
0xb3: {  	s29 =	simm.s32 $0x9;
	_ =	strace $0x8000004B  }
0xb4: {  	_ =	swait.ge [sflag:s29], $0x1  }
0xb5: {  	[sflag:s29] =	ssyncadd.s32 $0xFFFFFFFF  }
0xb6: {  	_ =	strace $0x9000004B  }
0xb7: {  	_ =	sfence  }
0xb8: {  	s30 =	sld [smem:$0x0];
	_ =	sdelay $0x2  }
0xb9: {  	s31 =	sshll.u32 s1, $0xD;
	s1 =	sshrl.u32 s1, $0x2  }
0xba: {  	s3 =	sand.u32 $0x4000, s31;
	s1 =	sadd.s32 s1, s30  }
0xbb: {  	s0 =	sor.u32 s3, s0;
	s1 =	sshll.u32 s1, $0x11  }
0xbc: {  	s0 =	sor.u32 s1, s0  }
0xbd: {  	s0 =	sadd.s32 $0x8F2B, s0  }
0xbe: {  	[sflag:s0] =	ssyncadd.remote.s32 $0x1  }
0xbf: {  	_ =	sfence.sel $0xFFFF  }
0xc0: {  	[dreg:$0x0] =	wrdreg $0xFFFFFFFF;
	(pc) =	sbr.abs _section_cstart, $3  }
0xc1: {  	[dreg:$0x1] =	wrdreg $0xFFFFFFFF  }
0xc2: {  	_ =	task.clear_ibuf [dreg:s7], $0x2FFFF;
	_ =	strace $0x9FFFFFFF  }
0xc3: {  	(tm) =	ssettm $0x7FFFFFFF  }
tec
execute0_lowered:
.L_overlay_start_1:
0x0: {  	(tag) =	ssettag $0x1  }
0x1: {  	v0 =	vimm.s32 $0x58585850  }
0x2: {  	v1 =	vimm.s32 $0x68606060;
	vm0 =	vcmask $0xF00;
	v0 =	vunpack.c.0.s8.s32 v0  }
0x3: {  	vm1 =	vcmask $0x1F10;
	v2 =	vimm.s32 $0x30302828;
	v1 =	vunpack.c.0.s8.s32 v1  }
0x4: {  	v3 =	vimm.s32 $0x38383830;
	vm2 =	vcmask $0x2F20;
	v0 =	vnsel vm0, $0x78, v0  }
0x5: {  	v4 =	vimm.s32 $0x8000000;
	v0 =	vsel vm1, v1, v0;
	v1 =	vimm.s32 $0x70706868  }
0x6: {  	v5 =	vimm.s32 $0x10100808;
	v2 =	vunpack.c.0.s8.s32 v2;
	v1 =	vunpack.c.0.s8.s32 v1  }
0x7: {  	v6 =	vimm.s32 $0x49249249;
	v7 =	vimm.s32 $0x92492492;
	v3 =	vunpack.c.0.s8.s32 v3  }
0x8: {  	s0 =	rddreg [dreg:$0x0];
	v4 =	vunpack.c.0.s8.s32 v4;
	v2 =	vnsel vm0, $0x50, v2;
	v0 =	vsel vm2, v1, v0  }
0x9: {  	s5 =	rddreg [dreg:$0x1];
	v1 =	vsel vm1, v3, v2;
	v2 =	vunpack.c.0.s8.s32 v5;
	v3 =	vimm.s32 $0x48404040  }
0xa: {  	s2 =	rddreg [dreg:$0x2];
	v4 =	vnsel vm0, $0x28, v4;
	v5 =	vimm.s32 $0x18181810;
	v3 =	vunpack.c.0.s8.s32 v3  }
0xb: {  	s1 =	rddreg [dreg:$0x3];
	s3 =	simm.s32 $0x0;
	v2 =	vsel vm1, v2, v4;
	v4 =	vunpack.c.0.s8.s32 v5;
	v5 =	vimm.s32 $0x24924924  }
0xc: {  	s4 =	srdreg.scid;
	s8 =	stileid.u32;
	s11 =	simm.s32 $0xFA0;
	v6 =	vunpack.c.l.s2.s4 v6;
	v7 =	vunpack.c.l.s2.s4 v7;
	v5 =	vunpack.c.l.s2.s4 v5  }
0xd: {  	s12 =	simm.s32 $0x8CA0;
	s13 =	simm.s32 $0x0;
	[smem:$0x7FF] =	sst s3;
	vm0 =	vcmask $0x3330;
	v1 =	vsel vm2, v3, v1;
	v2 =	vsel vm2, v4, v2  }
0xe: {  	s6 =	sand.u32 $0x1, s4;
	s4 =	sadd.s32 $0xE00, s5;
	s10 =	sshll.u32 s8, $0x1;
	v4 =	vunpack.c.l.s4.s8 v6;
	v3 =	vunpack.c.l.s4.s8 v5;
	v5 =	vunpack.c.l.s4.s8 v7  }
0xf: {  	s5 =	sadd.s32 $0x187800, s5;
	p0 =	sne.s32 s8, $0x0;
	s7 =	ssub.s32 $0x2, s6;
	v0 =	vsel vm0, $0x70, v0;
	vm0 =	vcmask $0x3730;
	vm1 =	vcmask $0x3B30  }
0x10: {  	_ =	strace $0x8000004A;
	s6 =	sor.u32 s6, s10;
	s9 =	sshrl.u32 s7, $0x1;
	v4 =	vunpack.c.0.s8.s32 v4;
	v3 =	vunpack.c.0.s8.s32 v3;
	v5 =	vunpack.c.0.s8.s32 v5  }
0x11: {  	s8 =	sshrl.u32 @!p0 s2, $0x3;
	s10 =	simm.s32 $0x1;
	s7 =	ssub.s32 s7, s9;
	v1 =	vsel vm0, $0x48, v1;
	vm0 =	vmmov $0xffff;
	v2 =	vsel vm1, $0x20, v2  }
0x12: {  	s6 =	smul.u32 $0x30D40, s6;
	s9 =	simm.s32 $0x2;
	s7 =	smax.u32 s7, $0x1;
	v4 =	vand.u32 $0x3, v4;
	v3 =	vand.u32 $0x3, v3;
	v5 =	vand.u32 $0x3, v5  }
.LBB2_1:
0x13: {  	s14 =	simm.s32 @!p0 $0x1C02  }
0x14: {  	[spmem:s8], [sflag:s14] =	dma.local @!p0 [hbm:s0], $0x186A0  }
0x15: {  	s14 =	simm.s32 @!p0 $0x2  }
0x16: {  	_ =	swait.ge @!p0 [sflag:s14], $0x186A0  }
0x17: {  	[sflag:s14] =	ssyncset.done @!p0 $0x0  }
0x18: {  	[sflag:s14] =	ssyncadd.s32 @!p0 $0xFFFE7960  }
0x19: {  	s14 =	simm.s32 $0x0;
	[bflag:$0x0] =	sbarrier.arrive $0xFFFF  }
.LBB2_2:
0x1a: {  	s15 =	smul.u32 $0xFA0, s14;
	_ =	sdelay $0x1  }
0x1b: {  	s15 =	sadd.s32 s6, s15  }
0x1c: {  	s16 =	sshrl.u32 s15, $0x3  }
0x1d: {  	s17 =	sadd.s32 s4, s16;
	s16 =	simm.s32 $0x0  }
0x1e: {  	[tilespmem:s16], [sflag:$0x2] =	stream.linear.gather [hbm4b:s17+s16], $0xFA0, $0x38;
	[tilespmem:$0x1CCF0] =	vst v63  }
0x1f: {  	_ =	swait.ge [sflag:s9], $0xFA0  }
0x20: {  	[sflag:s9] =	ssyncset.done $0x0  }
0x21: {  	s18 =	simm.s32 $0x0;
	s17 =	simm.s32 $0x50;
	[sflag:s9] =	ssyncadd.s32 $0xFFFFF060  }
.LBB2_3:
0x22: {  	v6 =	vld [tilespmem:s17+$0xFFFFFFB0];
	_ =	sdelay $0x5  }
0x23: {  	s19 =	sshra.s32 s18, $0x2  }
0x24: {  	s20 =	sadd.s32 $0xFA0, s19  }
0x25: {  	[tilespmem:s20], [sflag:$0x1] =	stream.indirect_vreg.gather [spmem:s2], $0x8, v6, vm0, $0xb8;
	[tilespmem:$0x1CCF0] =	vst v63  }
0x26: {  	v6 =	vld [tilespmem:s17+$0xFFFFFFC0];
	_ =	sdelay $0x6  }
0x27: {  	s23 =	sadd.s32 $0x1020, s19  }
0x28: {  	[tilespmem:s23], [sflag:$0x1] =	stream.indirect_vreg.gather [spmem:s2], $0x8, v6, vm0, $0xb8;
	[tilespmem:$0x1CCF0] =	vst v63  }
0x29: {  	v6 =	vld [tilespmem:s17+$0xFFFFFFD0];
	_ =	sdelay $0x6  }
0x2a: {  	s24 =	sadd.s32 $0x10A0, s19  }
0x2b: {  	[tilespmem:s24], [sflag:$0x1] =	stream.indirect_vreg.gather [spmem:s2], $0x8, v6, vm0, $0xb8;
	[tilespmem:$0x1CCF0] =	vst v63  }
0x2c: {  	v6 =	vld [tilespmem:s17+$0xFFFFFFE0];
	_ =	sdelay $0x6  }
0x2d: {  	s25 =	sadd.s32 $0x1120, s19  }
0x2e: {  	[tilespmem:s25], [sflag:$0x1] =	stream.indirect_vreg.gather [spmem:s2], $0x8, v6, vm0, $0xb8;
	[tilespmem:$0x1CCF0] =	vst v63  }
0x2f: {  	v6 =	vld [tilespmem:s17+$0xFFFFFFF0];
	_ =	sdelay $0x6  }
0x30: {  	s26 =	sadd.s32 $0x11A0, s19  }
0x31: {  	[tilespmem:s26], [sflag:$0x1] =	stream.indirect_vreg.gather [spmem:s2], $0x8, v6, vm0, $0xb8;
	[tilespmem:$0x1CCF0] =	vst v63  }
0x32: {  	v6 =	vld [tilespmem:s17+$0x0];
	_ =	sdelay $0x6  }
0x33: {  	s28 =	sadd.s32 $0x1220, s19  }
0x34: {  	[tilespmem:s28], [sflag:$0x1] =	stream.indirect_vreg.gather [spmem:s2], $0x8, v6, vm0, $0xb8;
	[tilespmem:$0x1CCF0] =	vst v63  }
0x35: {  	v6 =	vld [tilespmem:s17+$0x10];
	_ =	sdelay $0x6  }
0x36: {  	s29 =	sadd.s32 $0x12A0, s19  }
0x37: {  	[tilespmem:s29], [sflag:$0x1] =	stream.indirect_vreg.gather [spmem:s2], $0x8, v6, vm0, $0xb8;
	[tilespmem:$0x1CCF0] =	vst v63  }
0x38: {  	v6 =	vld [tilespmem:s17+$0x20];
	_ =	sdelay $0x6  }
0x39: {  	s30 =	sadd.s32 $0x1320, s19  }
0x3a: {  	[tilespmem:s30], [sflag:$0x1] =	stream.indirect_vreg.gather [spmem:s2], $0x8, v6, vm0, $0xb8;
	[tilespmem:$0x1CCF0] =	vst v63  }
0x3b: {  	v6 =	vld [tilespmem:s17+$0x30];
	_ =	sdelay $0x6  }
0x3c: {  	s31 =	sadd.s32 $0x13A0, s19  }
0x3d: {  	[tilespmem:s31], [sflag:$0x1] =	stream.indirect_vreg.gather [spmem:s2], $0x8, v6, vm0, $0xb8;
	[tilespmem:$0x1CCF0] =	vst v63  }
0x3e: {  	v6 =	vld [tilespmem:s17+$0x40];
	_ =	sdelay $0x5  }
0x3f: {  	p1 =	sne.s32 s18, $0x1E000  }
.Ltmp0:
0x40: {  	s19 =	sadd.s32 $0x1420, s19;
	(pc) =	sbr.rel @p1 .LBB2_3-.Ltmp0, $4  }
0x41: {  	[tilespmem:s19], [sflag:$0x1] =	stream.indirect_vreg.gather [spmem:s2], $0x8, v6, vm0, $0xb8;
	[tilespmem:$0x1CCF0] =	vst v63  }
0x42: {  	_ =	swait.ge [sflag:s10], $0x500  }
0x43: {  	[sflag:s10] =	ssyncset.done $0x0  }
0x44: {  	s18 =	sadd.s32 $0x1400, s18;
	s17 =	sadd.s32 $0xA0, s17;
	[sflag:s10] =	ssyncadd.s32 $0xFFFFFB00  }
0x45: {  	v6 =	vmov s16  }
0x46: {  	v6 =	vshll.u32 v6, $0x3  }
0x47: {  	v7 =	vor.u32 v2, v6  }
0x48: {  	v7 =	vor.u32 v3, v7;
	_ =	sdelay $0x4  }
0x49: {  	v9 =	vor.u32 v1, v6;
	v8 =	vld.idx.msk [tilespmem:v7+s11+$0x0], $0xffff  }
0x4a: {  	v9 =	vor.u32 v4, v9;
	_ =	sdelay $0x3  }
0x4b: {  	[tilespmem:v7+s12+$0x0] =	vst.idx.msk $0xffff, v8  }
0x4c: {  	v6 =	vor.u32 v0, v6;
	v8 =	vld.idx.msk [tilespmem:v9+s11+$0x0], $0xffff  }
0x4d: {  	v6 =	vor.u32 v5, v6;
	_ =	sdelay $0x2  }
0x4e: {  	s31 =	sadd.s32 $0x10, s16  }
0x4f: {  	s16 =	sadd.s32 $0x10, s31;
	v7 =	vmov s31;
	[tilespmem:v9+s12+$0x0] =	vst.idx.msk $0xffff, v8  }
.LBB2_5:
0x50: {  	p1 =	sne.s32 s16, $0xF90;
	v7 =	vshll.u32 v7, $0x3;
	v8 =	vld.idx.msk [tilespmem:v6+s11+$0x0], $0xffff  }
0x51: {  	v9 =	vor.u32 v2, v7  }
0x52: {  	v9 =	vor.u32 v3, v9;
	_ =	sdelay $0x3  }
0x53: {  	[tilespmem:v6+s12+$0x0] =	vst.idx.msk $0xffff, v8  }
0x54: {  	v6 =	vld.idx.msk [tilespmem:v9+s11+$0x0], $0xffff  }
0x55: {  	v8 =	vor.u32 v1, v7  }
0x56: {  	v8 =	vor.u32 v4, v8;
	_ =	sdelay $0x3  }
0x57: {  	[tilespmem:v9+s12+$0x0] =	vst.idx.msk $0xffff, v6  }
0x58: {  	v9 =	vld.idx.msk [tilespmem:v8+s11+$0x0], $0xffff  }
0x59: {  	v6 =	vor.u32 v0, v7  }
.Ltmp1:
0x5a: {  	v6 =	vor.u32 v5, v6;
	(pc) =	sbr.rel @p1 .LBB2_5-.Ltmp1, $2  }
0x5b: {  	_ =	sdelay $0x2  }
0x5c: {  	v7 =	vmov s16;
	s16 =	sadd.s32 $0x10, s16;
	[tilespmem:v8+s12+$0x0] =	vst.idx.msk $0xffff, v9  }
0x5d: {  	_ =	sdelay $0x2  }
0x5e: {  	v7 =	vshll.u32 v7, $0x3  }
0x5f: {  	v8 =	vld.idx.msk [tilespmem:v6+s11+$0x0], $0xffff;
	v9 =	vor.u32 v2, v7  }
0x60: {  	v9 =	vor.u32 v3, v9;
	_ =	sdelay $0x3  }
0x61: {  	[tilespmem:v6+s12+$0x0] =	vst.idx.msk $0xffff, v8  }
0x62: {  	v63 =	vor.u32 v1, v7;
	v6 =	vld.idx.msk [tilespmem:v9+s11+$0x0], $0xffff  }
0x63: {  	v8 =	vor.u32 v4, v63;
	_ =	sdelay $0x3  }
0x64: {  	[tilespmem:v9+s12+$0x0] =	vst.idx.msk $0xffff, v6  }
0x65: {  	v7 =	vor.u32 v0, v7;
	v6 =	vld.idx.msk [tilespmem:v8+s11+$0x0], $0xffff  }
0x66: {  	v7 =	vor.u32 v5, v7;
	_ =	sdelay $0x3  }
0x67: {  	[tilespmem:v8+s12+$0x0] =	vst.idx.msk $0xffff, v6  }
0x68: {  	v6 =	vld.idx.msk [tilespmem:v7+s11+$0x0], $0xffff;
	_ =	sdelay $0x2  }
0x69: {  	s14 =	sadd.s32 $0x1, s14  }
0x6a: {  	p1 =	sne.s32 s14, $0x32  }
.Ltmp2:
0x6b: {  	s15 =	sadd.s32 s5, s15;
	[tilespmem:v7+s12+$0x0] =	vst.idx.msk $0xffff, v6;
	(pc) =	sbr.rel @p1 .LBB2_2-.Ltmp2, $4  }
0x6c: {  	[hbm4b:s15+s3] =	stream.linear.scatter [tilespmem:s12], [sflag:$0x2], $0x7D00, $0x38;
	[tilespmem:$0x1CCF0] =	vst v63  }
0x6d: {  	_ =	swait.ge [sflag:s9], $0x7D00  }
0x6e: {  	[sflag:s9] =	ssyncset.done $0x0  }
0x6f: {  	[sflag:s9] =	ssyncadd.s32 $0xFFFF8300  }
0x70: {  	s13 =	sadd.s32 $0x1, s13  }
0x71: {  	p1 =	sne.s32 s13, s7  }
.Ltmp3:
0x72: {  	_ = 	snop;
	(pc) =	sbr.rel @p1 .LBB2_1-.Ltmp3, $1  }
0x73: {  	_ =	sdelay $0x3  }
0x74: {  	_ =	sfence.sel $0x180000  }
0x75: {  	[bflag:$0x0] =	sbarrier.arrive $0xFFFF  }
0x76: {  	_ =	strace $0x9000004A  }
0x77: {  	s0 =	sadd.s32 @!p0 $0x100000, s1;
	[bflag:$0x2] =	sbarrier.arrive $0xFFFF  }
0x78: {  	[sflag:s0] =	ssyncadd.tile.s32 @!p0 $0x1;
	_ =	shalt  }
.Lfunc_end2:
_tile_overlayer_lowered:
.L_overlay_start_2:
0x79: {  	(tag) =	ssettag $0x2  }
0x7a: {  	s0 =	rddreg [dreg:$0x0];
	s2 =	stileid.u32  }
0x7b: {  	s1 =	rddreg [dreg:$0x1];
	p0 =	sne.s32 s2, $0x0  }
0x7c: {  	s3 =	rddreg [dreg:$0x2];
	[bflag:$0x3] =	sbarrier.arrive $0xFFFF;
	s2 =	simm.s32 @!p0 $0x1C02  }
0x7d: {  	[timem:s3], [sflag:s2] =	dma.local @!p0 [hbm:s0], s1  }
0x7e: {  	s0 =	simm.s32 @!p0 $0x2  }
0x7f: {  	_ =	swait.ge @!p0 [sflag:s0], s1  }
0x80: {  	s1 =	ssub.s32 @!p0 $0x0, s1;
	[sflag:s0] =	ssyncset.done @!p0 $0x0  }
0x81: {  	[sflag:s0] =	ssyncadd.s32 @!p0 s1  }
0x82: {  	[bflag:$0x3] =	sbarrier.arrive $0xFFFF  }
0x83: {  	_ =	shalt  }

// kernel: sparse-core-data-format-call.1.cloned.1.call-start
scs
called_computation.1_lowered:
.L_overlay_start_0:
0x0: {  	s2 =	sld [smem:$0x3FD9]  }
0x1: {  	s3 =	sld [smem:$0x3FFE];
	_ =	sdelay $0x1  }
0x2: {  	s1 =	srdreg.scid  }
0x3: {  	s0 =	sand.u32 $0x1, s1  }
0x4: {  	s18 =	sshll.u32 s0, $0xA;
	s2 =	sadd.s32 s3, s2  }
0x5: {  	s2 =	sadd.s32 s2, s18  }
0x6: {  	[smem:$0x3FC6] =	sst s2  }
0x7: {  	_ = 	snop  }
0x8: {  	s2 =	sld [smem:$0x3FC8];
	(tm) =	ssettm $0x1  }
0x9: {  	s19 =	sld [smem:$0x3FFB];
	_ =	sdelay $0x3  }
0xa: {  	_ =	strace s19  }
0xb: {  	s3 =	sld [smem:$0x3FFC];
	_ =	sdelay $0x3  }
0xc: {  	_ =	strace s3  }
0xd: {  	s3 =	sld [smem:$0x3FFD];
	_ =	sdelay $0x3  }
0xe: {  	_ =	strace s3  }
0xf: {  	_ =	strace $0x8FFFFFFF  }
0x10: {  	s20 =	sld [smem:$0x3FDB];
	_ =	sdelay $0x1  }
0x11: {  	s4 =	simm.s32 $_scs_section_size  }
0x12: {  	s5 =	simm.s32 $_size__tile_overlayer_lowered;
	s6 =	simm.s32 $_tile_overlayer_lowered  }
0x13: {  	s23 =	simm.s32 $0x1BFF;
	s22 =	sshll.u32 s6, $0x1;
	s3 =	sadd.s32 s4, s20  }
0x14: {  	s7 =	simm.s32 $0x0;
	s21 =	sshll.u32 s5, $0x1;
	s5 =	sadd.s32 s22, s3  }
0x15: {  	[timem:s7], [sflag:s23] =	dma.local [hbm:s5], s21  }
0x16: {  	_ =	swait.ge [sflag:s23], s21  }
0x17: {  	s4 =	ssub.s32 $0x0, s21;
	[sflag:s23] =	ssyncset.done $0x0  }
0x18: {  	[sflag:s23] =	ssyncadd.s32 s4;
	_ =	sdelay $0x1  }
0x19: {  	s24 =	simm.s32 $0x1B8B  }
0x1a: {  	_ =	swait.ge [sflag:s24], $0x1  }
0x1b: {  	[sflag:s24] =	ssyncset.done $0x0  }
0x1c: {  	s26 =	simm.s32 $0x1B8E;
	s25 =	sld [smem:$0x3FFE];
	[sflag:s24] =	ssyncadd.s32 $0xFFFFFFFF  }
0x1d: {  	s27 =	simm.s32 $execute0_lowered;
	[smem:$0x3FD2] =	sst s26  }
0x1e: {  	s5 =	sshll.u32 s27, $0x1;
	_ =	strace $0x80000046;
	[dreg:$0x1] =	wrdreg $0xFFFFFFFF  }
0x1f: {  	s28 =	simm.s32 $_size_execute0_lowered;
	s3 =	sadd.s32 s3, s5;
	[dreg:$0x0] =	wrdreg $0x0  }
0x20: {  	s5 =	sshll.u32 s28, $0x1;
	[dreg:$0x2] =	wrdreg s3  }
0x21: {  	[dreg:$0x3] =	wrdreg s5  }
0x22: {  	[dreg:$0x4] =	wrdreg $0xC0  }
0x23: {  	_ =	task [dreg:s7], $0x5FFFF  }
0x24: {  	[dreg:$0x1] =	wrdreg $0xFFFFFFFF  }
0x25: {  	[dreg:$0x0] =	wrdreg $0x60  }
0x26: {  	[dreg:$0x2] =	wrdreg s2  }
0x27: {  	[dreg:$0x3] =	wrdreg s25  }
0x28: {  	[dreg:$0x4] =	wrdreg $0x9  }
0x29: {  	_ =	task.clear_ibuf [dreg:s7], $0x5FFFF;
	_ =	strace $0x90000046  }
0x2a: {  	s29 =	simm.s32 $0x9;
	_ =	strace $0x80000048  }
0x2b: {  	_ =	swait.ge [sflag:s29], $0x1  }
0x2c: {  	[sflag:s29] =	ssyncadd.s32 $0xFFFFFFFF  }
0x2d: {  	_ =	strace $0x90000048  }
0x2e: {  	_ =	sfence  }
0x2f: {  	s30 =	sld [smem:$0x0];
	_ =	sdelay $0x2  }
0x30: {  	s31 =	sshll.u32 s1, $0xD;
	s1 =	sshrl.u32 s1, $0x2  }
0x31: {  	s3 =	sand.u32 $0x4000, s31;
	s1 =	sadd.s32 s1, s30  }
0x32: {  	s0 =	sor.u32 s3, s0;
	s1 =	sshll.u32 s1, $0x11  }
0x33: {  	s0 =	sor.u32 s1, s0  }
0x34: {  	s0 =	sadd.s32 $0x8F2B, s0  }
0x35: {  	[sflag:s0] =	ssyncadd.remote.s32 $0x1  }
0x36: {  	_ =	sfence.sel $0xFFFF  }
0x37: {  	[dreg:$0x0] =	wrdreg $0xFFFFFFFF;
	(pc) =	sbr.abs _section_cstart, $3  }
0x38: {  	[dreg:$0x1] =	wrdreg $0xFFFFFFFF  }
0x39: {  	_ =	task.clear_ibuf [dreg:s7], $0x2FFFF;
	_ =	strace $0x9FFFFFFF  }
0x3a: {  	(tm) =	ssettm $0x7FFFFFFF  }
0x3b: {  	_ =	shalt  }
tec
execute0_lowered:
.L_overlay_start_1:
0x0: {  	(tag) =	ssettag $0x1  }
0x1: {  	s0 =	stileid.u32;
	s7 =	rddreg [dreg:$0x0]  }
0x2: {  	s1 =	srdreg.scid;
	s4 =	rddreg [dreg:$0x1]  }
0x3: {  	s30 =	simm.s32 $0x2;
	s10 =	simm.s32 $0x0;
	s14 =	simm.s32 $0x0  }
0x4: {  	s15 =	simm.s32 $0x0;
	s11 =	simm.s32 $0x0;
	s13 =	simm.s32 $0x0  }
0x5: {  	s2 =	sand.u32 $0x1, s1;
	s3 =	sshll.u32 s0, $0x7;
	s1 =	rddreg [dreg:$0x2]  }
0x6: {  	_ =	strace $0x80000047;
	s5 =	ssub.s32 $0xC300, s3;
	s6 =	ssub.s32 $0x2, s2  }
.Ltmp0:
0x7: {  	s5 =	sshrl.u32 s5, $0xB;
	s8 =	sshrl.u32 s6, $0x1;
	(pc) =	sbr.rel .LBB1_1-.Ltmp0, $4  }
0x8: {  	s4 =	sadd.s32 $0xE00, s4;
	s9 =	sadd.s32 $0x1, s5;
	s6 =	ssub.s32 s6, s8  }
0x9: {  	s31 =	sshll.u32 s2, $0x4;
	s5 =	simm.s32 $0x1;
	s6 =	smul.u32 s9, s6  }
0xa: {  	s12 =	smov.u32 s3;
	s7 =	sadd.s32 s7, s31;
	[sflag:s5] =	ssyncpa.u1 $0x0  }
0xb: {  	s9 =	simm.s32 $0x0;
	[sflag:s30] =	ssyncpa.u1 $0x0;
	s8 =	sadd.s32 $0x1, s6  }
.LBB1_4:
0xc: {  	s21 =	simm.s32 $0x0  }
.LBB1_8:
0xd: {  	_ =	sdelay $0x3  }
0xe: {  	v6 =	vld [tilespmem:s18+$0xFFFFFFC0];
	[tilespmem:v0+s20+$0x30 ss:$0x1] =	vst.idx.msk @p0 $0xffff, v2  }
0xf: {  	v58 =	vld [tilespmem:s18+$0xFFFFFFD0];
	[tilespmem:v0+s20+$0x40 ss:$0x1] =	vst.idx.msk @p0 $0xffff, v3;
	s21 =	sadd.s32 @p0 $0x80, s21  }
0x10: {  	v59 =	vld [tilespmem:s18+$0xFFFFFFE0];
	[tilespmem:v0+s20+$0x50 ss:$0x1] =	vst.idx.msk @p0 $0xffff, v5;
	s19 =	smov.u32 @p0 s21  }
0x11: {  	v60 =	vld [tilespmem:s18+$0xFFFFFFF0];
	[tilespmem:v0+s20+$0x60 ss:$0x1] =	vst.idx.msk @p0 $0xffff, v4;
	s19 =	sand.u32 $0x3F80, s19  }
0x12: {  	v61 =	vld [tilespmem:s18+$0x0];
	[tilespmem:v0+s19+$0x70 ss:$0x1] =	vst.idx.msk $0xffff, v1  }
0x13: {  	v62 =	vld [tilespmem:s18+$0x10];
	[tilespmem:v0+s19+$0x0 ss:$0x1] =	vst.idx.msk $0xffff, v6  }
0x14: {  	v63 =	vld [tilespmem:s18+$0x20];
	[tilespmem:v0+s19+$0x10 ss:$0x1] =	vst.idx.msk $0xffff, v58  }
0x15: {  	[tilespmem:v0+s19+$0x20 ss:$0x1] =	vst.idx.msk $0xffff, v59  }
0x16: {  	[tilespmem:v0+s19+$0x30 ss:$0x1] =	vst.idx.msk $0xffff, v60  }
0x17: {  	[tilespmem:v0+s19+$0x40 ss:$0x1] =	vst.idx.msk $0xffff, v61  }
0x18: {  	[tilespmem:v0+s19+$0x50 ss:$0x1] =	vst.idx.msk $0xffff, v62  }
0x19: {  	[tilespmem:v0+s19+$0x60 ss:$0x1] =	vst.idx.msk $0xffff, v63  }
.LBB1_9:
0x1a: {  	s18 =	sand.u32 $0x1FFFFFF, s11  }
0x1b: {  	s19 =	smulhi.u32 $0x14F8B59, s18;
	_ =	sdelay $0x1  }
0x1c: {  	s19 =	sshrl.u32 s19, $0x8  }
0x1d: {  	s19 =	smul.u32 $0xC350, s19  }
0x1e: {  	s15 =	smul.u32 $0xC3500, s15  }
0x1f: {  	s18 =	ssub.s32 s18, s19  }
0x20: {  	s15 =	sadd.s32 s4, s15;
	s18 =	sshll.u32 s18, $0x4  }
0x21: {  	s15 =	sadd.s32 s18, s15  }
0x22: {  	[hbm4b:s15+s9] =	stream.linear.scatter [tilespmem:s17], [sflag:$0x2], s16, $0x38;
	[tilespmem:$0x10000] =	vst v63  }
.LBB1_10:
0x23: {  	p0 =	slt.u32 s13, $0x2  }
0x24: {  	p1 =	sgt.s32 @!p0 s14, $0xC2D0  }
0x25: {  	s15 =	smov.u32 s14;
	s16 =	sshra.s32 @!p0 s14, $0x1F;
	p1 =	por !p1, p0  }
0x26: {  	s14 =	sand.u32 @!p0 s16, s14;
	s15 =	simm.s32 @p1 $0xC2D0  }
0x27: {  	s14 =	ssub.s32 @!p0 s15, s14  }
0x28: {  	s14 =	sadd.s32 @!p0 $0xFFFF3D30, s14  }
0x29: {  	s15 =	sshll.u32 @!p0 s14, $0x7  }
0x2a: {  	p1 =	sgt.s32 @!p0 s14, $0x7F;
	s14 =	ssub.s32 @!p0 $0x4000, s15  }
0x2b: {  	s16 =	sadd.s32 $0x800, s12;
	p1 =	por !p1, p0;
	s14 =	sand.u32 @!p0 $0x3FFFFF80, s14  }
0x2c: {  	s14 =	simm.s32 @!p1 $0x0;
	p1 =	sgt.s32 s16, $0xC34F  }
0x2d: {  	s16 =	smov.u32 @p1 s3;
	p1 =	sne.s32 s13, s8  }
.Ltmp1:
0x2e: {  	_ = 	snop;
	(pc) =	sbr.rel @!p1 .LBB1_11-.Ltmp1, $4  }
0x2f: {  	s10 =	sadd.s32 $0x4000, s10;
	s15 =	simm.s32 @!p0 $0x2  }
0x30: {  	_ =	swait.ge @!p0 [sflag:s15], s14;
	s17 =	ssub.s32 @!p0 $0x0, s14;
	s14 =	smov.u32 s11  }
0x31: {  	s13 =	sadd.s32 $0x1, s13;
	s11 =	smov.u32 s12;
	[sflag:s15] =	ssyncset.done @!p0 $0x0  }
0x32: {  	s12 =	smov.u32 s16;
	[sflag:s15] =	ssyncadd.s32 @!p0 s17;
	s15 =	smov.u32 s2  }
.LBB1_1:
0x33: {  	p0 =	sge.u32 s13, s6  }
0x34: {  	p1 =	sgt.s32 @!p0 s12, $0xC2D0  }
0x35: {  	s16 =	smov.u32 s12;
	s17 =	sshra.s32 @!p0 s12, $0x1F;
	p1 =	por !p1, p0  }
0x36: {  	s17 =	sand.u32 @!p0 s17, s12;
	s16 =	simm.s32 @p1 $0xC2D0  }
0x37: {  	s16 =	ssub.s32 @!p0 s16, s17  }
0x38: {  	s31 =	sadd.s32 $0xFFFFFFFF, s13;
	s18 =	sxor.u32 @!p0 $0xFFFFFFFF, s13;
	s16 =	sadd.s32 @!p0 $0xFFFF3D30, s16  }
0x39: {  	s19 =	simm.s32 @!p0 $0x80;
	s20 =	simm.s32 @!p0 $0x100;
	s17 =	sshll.u32 @!p0 s16, $0x7  }
0x3a: {  	p1 =	sgt.s32 @!p0 s16, $0x7F;
	s16 =	ssub.s32 @!p0 $0x4000, s17;
	s17 =	sshll.u32 @!p0 s18, $0xE  }
0x3b: {  	p1 =	por !p1, p0;
	s18 =	sshll.u32 @!p0 s12, $0x5;
	s16 =	sand.u32 @!p0 $0x3FFFFF80, s16  }
0x3c: {  	s17 =	sand.u32 @!p0 $0x4000, s17;
	s18 =	sadd.s32 @!p0 s18, s7;
	s16 =	simm.s32 @!p1 $0x0  }
0x3d: {  	[tilespmem:s17], [sflag:$0x1] =	stream.strided.gather @!p0 [hbm4b:s18+s19], s16, s20, s19, $0x38;
	[tilespmem:$0x10000] =	vst v63  }
0x3e: {  	p0 =	sge.u32 s31, s6  }
.Ltmp2:
0x3f: {  	_ = 	snop;
	(pc) =	sbr.rel @p0 .LBB1_10-.Ltmp2, $1  }
0x40: {  	_ =	sdelay $0x3  }
0x41: {  	p0 =	sgt.s32 s11, $0xC2D0;
	s16 =	smov.u32 s11;
	s17 =	sshra.s32 s11, $0x1F  }
0x42: {  	s16 =	simm.s32 @!p0 $0xC2D0;
	s17 =	sand.u32 s17, s11  }
0x43: {  	s16 =	ssub.s32 s16, s17  }
0x44: {  	s16 =	sadd.s32 $0xFFFF3D30, s16  }
0x45: {  	s30 =	sshll.u32 s16, $0x7  }
0x46: {  	s17 =	ssub.s32 $0x4000, s30  }
0x47: {  	p0 =	sgt.s32 s16, $0x7F;
	s16 =	sand.u32 $0x3FFFFF80, s17;
	s17 =	sadd.s32 $0x80, s11  }
0x48: {  	s16 =	simm.s32 @p0 $0x0;
	p0 =	slt.s32 s17, $0xC350  }
0x49: {  	s17 =	simm.s32 @!p0 $0xC350  }
0x4a: {  	s20 =	ssub.s32 s17, s11  }
0x4b: {  	p0 =	slt.s32 s20, $0x1  }
.Ltmp3:
0x4c: {  	_ = 	snop;
	(pc) =	sbr.rel @p0 .LBB1_9-.Ltmp3, $4  }
0x4d: {  	_ = 	snop  }
0x4e: {  	s19 =	sshll.u32 s13, $0xE;
	_ =	swait.ge [sflag:s5], s16  }
0x4f: {  	s31 =	sand.u32 $0x4000, s19;
	s18 =	ssub.s32 $0x0, s16;
	[sflag:s5] =	ssyncset.done $0x0  }
0x50: {  	s17 =	sor.u32 $0x8000, s31;
	[sflag:s5] =	ssyncadd.s32 s18  }
0x51: {  	p1 =	sne.s32 s20, $0x1  }
.Ltmp4:
0x52: {  	v0 =	vmov s17;
	(pc) =	sbr.rel @!p1 .LBB1_4-.Ltmp4, $4  }
0x53: {  	_ = 	snop  }
0x54: {  	s18 =	sand.u32 $0x4000, s10  }
0x55: {  	s18 =	sor.u32 $0x40, s18  }
0x56: {  	s19 =	simm.s32 $0x0;
	s21 =	sadd.s32 $0xFFFFFFFF, s20;
	p0 =	por $0x0, $0x0;
	v1 =	vld [tilespmem:s18+$0x30]  }
0x57: {  	v4 =	vld [tilespmem:s18+$0xFFFFFFC0]  }
0x58: {  	v6 =	vld [tilespmem:s18+$0xFFFFFFD0]  }
0x59: {  	v7 =	vld [tilespmem:s18+$0xFFFFFFE0];
	p1 =	sne.s32 s21, $0x1  }
.Ltmp5:
0x5a: {  	v2 =	vld [tilespmem:s18+$0xFFFFFFF0];
	s20 =	sand.u32 $0x3F80, s19;
	(pc) =	sbr.rel @!p1 .LBB1_6-.Ltmp5, $4  }
0x5b: {  	v3 =	vld [tilespmem:s18+$0x0];
	[tilespmem:v0+s20+$0x70 ss:$0x1] =	vst.idx.msk $0xffff, v1  }
0x5c: {  	v5 =	vld [tilespmem:s18+$0x10];
	[tilespmem:v0+s20+$0x0 ss:$0x1] =	vst.idx.msk $0xffff, v4  }
0x5d: {  	v4 =	vld [tilespmem:s18+$0x20];
	[tilespmem:v0+s20+$0x10 ss:$0x1] =	vst.idx.msk $0xffff, v6;
	s18 =	sadd.s32 $0x80, s18  }
0x5e: {  	s22 =	sadd.s32 $0xFFFFFFFF, s21;
	p0 =	por $0x1, $0x1;
	s21 =	simm.s32 $0x0;
	[tilespmem:v0+s20+$0x20 ss:$0x1] =	vst.idx.msk $0xffff, v7;
	v1 =	vld [tilespmem:s18+$0x30]  }
.LBB1_7:
0x5f: {  	p1 =	sne.s32 s22, $0x1;
	v6 =	vld [tilespmem:s18+$0xFFFFFFC0];
	[tilespmem:v0+s20+$0x30 ss:$0x1] =	vst.idx.msk $0xffff, v2  }
0x60: {  	v7 =	vld [tilespmem:s18+$0xFFFFFFD0];
	[tilespmem:v0+s20+$0x40 ss:$0x1] =	vst.idx.msk $0xffff, v3  }
0x61: {  	s21 =	sadd.s32 $0x80, s21;
	v8 =	vld [tilespmem:s18+$0xFFFFFFE0];
	[tilespmem:v0+s20+$0x50 ss:$0x1] =	vst.idx.msk $0xffff, v5  }
.Ltmp6:
0x62: {  	v2 =	vld [tilespmem:s18+$0xFFFFFFF0];
	[tilespmem:v0+s20+$0x60 ss:$0x1] =	vst.idx.msk $0xffff, v4;
	s20 =	sand.u32 $0x3F80, s21;
	(pc) =	sbr.rel @p1 .LBB1_7-.Ltmp6, $4  }
0x63: {  	v3 =	vld [tilespmem:s18+$0x0];
	[tilespmem:v0+s20+$0x70 ss:$0x1] =	vst.idx.msk $0xffff, v1  }
0x64: {  	[tilespmem:v0+s20+$0x0 ss:$0x1] =	vst.idx.msk $0xffff, v6;
	v5 =	vld [tilespmem:s18+$0x10]  }
0x65: {  	[tilespmem:v0+s20+$0x10 ss:$0x1] =	vst.idx.msk $0xffff, v7;
	v4 =	vld [tilespmem:s18+$0x20];
	s18 =	sadd.s32 $0x80, s18  }
0x66: {  	s22 =	sadd.s32 $0xFFFFFFFF, s22;
	v1 =	vld [tilespmem:s18+$0x30];
	[tilespmem:v0+s20+$0x20 ss:$0x1] =	vst.idx.msk $0xffff, v8  }
.Ltmp7:
0x67: {  	_ = 	snop;
	(pc) =	sbr.rel .LBB1_8-.Ltmp7, $1  }
0x68: {  	_ =	sdelay $0x3  }
.LBB1_6:
.Ltmp8:
0x69: {  	(pc) =	sbr.rel .LBB1_8-.Ltmp8, $2  }
0x6a: {  	_ =	sdelay $0x2  }
0x6b: {  	s21 =	simm.s32 $0x0  }
.LBB1_11:
0x6c: {  	_ =	sfence.sel $0x180000  }
0x6d: {  	s2 =	simm.s32 $0x1;
	[bflag:$0x0] =	sbarrier.arrive $0xFFFF  }
0x6e: {  	s31 =	simm.s32 $0x2;
	[sflag:s2] =	ssyncpa.u1 $0x1  }
0x6f: {  	[sflag:s31] =	ssyncpa.u1 $0x1  }
0x70: {  	p0 =	sne.s32 s0, $0x0;
	_ =	strace $0x90000047  }
0x71: {  	s0 =	sadd.s32 @!p0 $0x100000, s1;
	[bflag:$0x2] =	sbarrier.arrive $0xFFFF  }
0x72: {  	[sflag:s0] =	ssyncadd.tile.s32 @!p0 $0x1;
	_ =	shalt  }
.Lfunc_end1:
_tile_overlayer_lowered:
.L_overlay_start_2:
0x73: {  	(tag) =	ssettag $0x2  }
0x74: {  	s0 =	rddreg [dreg:$0x0];
	s2 =	stileid.u32  }
0x75: {  	s1 =	rddreg [dreg:$0x1];
	p0 =	sne.s32 s2, $0x0  }
0x76: {  	s3 =	rddreg [dreg:$0x2];
	[bflag:$0x3] =	sbarrier.arrive $0xFFFF;
	s2 =	simm.s32 @!p0 $0x1C01  }
0x77: {  	[timem:s3], [sflag:s2] =	dma.local @!p0 [hbm:s0], s1  }
0x78: {  	s0 =	simm.s32 @!p0 $0x1  }
0x79: {  	_ =	swait.ge @!p0 [sflag:s0], s1  }
0x7a: {  	s1 =	ssub.s32 @!p0 $0x0, s1;
	[sflag:s0] =	ssyncset.done @!p0 $0x0  }
0x7b: {  	[sflag:s0] =	ssyncadd.s32 @!p0 s1  }
0x7c: {  	[bflag:$0x3] =	sbarrier.arrive $0xFFFF  }
0x7d: {  	_ =	shalt  }

// kernel: sparse-core-data-format-call.cloned.1.call-start
scs
called_computation_lowered:
.L_overlay_start_0:
0x0: {  	s2 =	sld [smem:$0x3FD9]  }
0x1: {  	s3 =	sld [smem:$0x3FFE];
	_ =	sdelay $0x1  }
0x2: {  	s1 =	srdreg.scid  }
0x3: {  	s0 =	sand.u32 $0x1, s1  }
0x4: {  	s18 =	sshll.u32 s0, $0xA;
	s2 =	sadd.s32 s3, s2  }
0x5: {  	s2 =	sadd.s32 s2, s18  }
0x6: {  	[smem:$0x3FC6] =	sst s2  }
0x7: {  	_ = 	snop  }
0x8: {  	s2 =	sld [smem:$0x3FD0];
	(tm) =	ssettm $0x1  }
0x9: {  	s19 =	sld [smem:$0x3FFB];
	_ =	sdelay $0x3  }
0xa: {  	_ =	strace s19  }
0xb: {  	s3 =	sld [smem:$0x3FFC];
	_ =	sdelay $0x3  }
0xc: {  	_ =	strace s3  }
0xd: {  	s3 =	sld [smem:$0x3FFD];
	_ =	sdelay $0x3  }
0xe: {  	_ =	strace s3  }
0xf: {  	_ =	strace $0x8FFFFFFF  }
0x10: {  	s20 =	sld [smem:$0x3FDB];
	_ =	sdelay $0x1  }
0x11: {  	s4 =	simm.s32 $_scs_section_size  }
0x12: {  	s5 =	simm.s32 $_size__tile_overlayer_lowered;
	s6 =	simm.s32 $_tile_overlayer_lowered  }
0x13: {  	s23 =	simm.s32 $0x1BFF;
	s22 =	sshll.u32 s6, $0x1;
	s3 =	sadd.s32 s4, s20  }
0x14: {  	s7 =	simm.s32 $0x0;
	s21 =	sshll.u32 s5, $0x1;
	s5 =	sadd.s32 s22, s3  }
0x15: {  	[timem:s7], [sflag:s23] =	dma.local [hbm:s5], s21  }
0x16: {  	_ =	swait.ge [sflag:s23], s21  }
0x17: {  	s4 =	ssub.s32 $0x0, s21;
	[sflag:s23] =	ssyncset.done $0x0  }
0x18: {  	[sflag:s23] =	ssyncadd.s32 s4;
	_ =	sdelay $0x1  }
0x19: {  	s24 =	simm.s32 $0x1B8B  }
0x1a: {  	_ =	swait.ge [sflag:s24], $0x1  }
0x1b: {  	[sflag:s24] =	ssyncset.done $0x0  }
0x1c: {  	s26 =	simm.s32 $0x1B8E;
	s25 =	sld [smem:$0x3FFE];
	[sflag:s24] =	ssyncadd.s32 $0xFFFFFFFF  }
0x1d: {  	s27 =	simm.s32 $execute0_lowered;
	[smem:$0x3FD2] =	sst s26  }
0x1e: {  	s5 =	sshll.u32 s27, $0x1;
	_ =	strace $0x8000004C;
	[dreg:$0x1] =	wrdreg $0xFFFFFFFF  }
0x1f: {  	s28 =	simm.s32 $_size_execute0_lowered;
	s3 =	sadd.s32 s3, s5;
	[dreg:$0x0] =	wrdreg $0x0  }
0x20: {  	s5 =	sshll.u32 s28, $0x1;
	[dreg:$0x2] =	wrdreg s3  }
0x21: {  	[dreg:$0x3] =	wrdreg s5  }
0x22: {  	[dreg:$0x4] =	wrdreg $0xC0  }
0x23: {  	_ =	task [dreg:s7], $0x5FFFF  }
0x24: {  	[dreg:$0x1] =	wrdreg $0xFFFFFFFF  }
0x25: {  	[dreg:$0x0] =	wrdreg $0x60  }
0x26: {  	[dreg:$0x2] =	wrdreg s25  }
0x27: {  	[dreg:$0x3] =	wrdreg s2  }
0x28: {  	[dreg:$0x4] =	wrdreg $0x9  }
0x29: {  	_ =	task.clear_ibuf [dreg:s7], $0x5FFFF;
	_ =	strace $0x9000004C  }
0x2a: {  	s29 =	simm.s32 $0x9;
	_ =	strace $0x8000004E  }
0x2b: {  	_ =	swait.ge [sflag:s29], $0x1  }
0x2c: {  	[sflag:s29] =	ssyncadd.s32 $0xFFFFFFFF  }
0x2d: {  	_ =	strace $0x9000004E  }
0x2e: {  	_ =	sfence  }
0x2f: {  	s30 =	sld [smem:$0x0];
	_ =	sdelay $0x2  }
0x30: {  	s31 =	sshll.u32 s1, $0xD;
	s1 =	sshrl.u32 s1, $0x2  }
0x31: {  	s3 =	sand.u32 $0x4000, s31;
	s1 =	sadd.s32 s1, s30  }
0x32: {  	s0 =	sor.u32 s3, s0;
	s1 =	sshll.u32 s1, $0x11  }
0x33: {  	s0 =	sor.u32 s1, s0  }
0x34: {  	s0 =	sadd.s32 $0x8F2B, s0  }
0x35: {  	[sflag:s0] =	ssyncadd.remote.s32 $0x1  }
0x36: {  	_ =	sfence.sel $0xFFFF  }
0x37: {  	[dreg:$0x0] =	wrdreg $0xFFFFFFFF;
	(pc) =	sbr.abs _section_cstart, $3  }
0x38: {  	[dreg:$0x1] =	wrdreg $0xFFFFFFFF  }
0x39: {  	_ =	task.clear_ibuf [dreg:s7], $0x2FFFF;
	_ =	strace $0x9FFFFFFF  }
0x3a: {  	(tm) =	ssettm $0x7FFFFFFF  }
0x3b: {  	_ =	shalt  }
tec
execute0_lowered:
.L_overlay_start_1:
0x0: {  	(tag) =	ssettag $0x1  }
0x1: {  	s0 =	srdreg.scid  }
0x2: {  	s5 =	rddreg [dreg:$0x0];
	s1 =	sshll.u32 s0, $0x4  }
0x3: {  	s2 =	rddreg [dreg:$0x1];
	s0 =	stileid.u32;
	s1 =	sand.u32 $0x10, s1  }
0x4: {  	s4 =	simm.s32 $0x1;
	s8 =	simm.s32 $0x2;
	s1 =	sor.u32 s0, s1  }
0x5: {  	s12 =	simm.s32 $0x0;
	s9 =	simm.s32 $0x0;
	s3 =	sshll.u32 s1, $0x7  }
0x6: {  	s11 =	simm.s32 $0x0;
	s5 =	sadd.s32 $0x7A2000, s5;
	s6 =	ssub.s32 $0x61A800, s3  }
.Ltmp0:
0x7: {  	s1 =	rddreg [dreg:$0x2];
	s7 =	sand.u32 $0xF80, s6;
	(pc) =	sbr.rel .LBB1_1-.Ltmp0, $4  }
0x8: {  	_ =	strace $0x8000004D;
	p0 =	sne.s32 s7, $0x0;
	s7 =	simm.s32 $0x1  }
0x9: {  	[sflag:s4] =	ssyncpa.u1 $0x0;
	s6 =	sshrl.u32 s6, $0xC;
	s7 =	simm.s32 @!p0 $0x0  }
0xa: {  	s10 =	smov.u32 s3;
	[sflag:s8] =	ssyncpa.u1 $0x0;
	s6 =	sadd.s32 s7, s6  }
0xb: {  	s8 =	simm.s32 $0x186A000;
	p0 =	por $0x0, $0x0;
	s7 =	sadd.s32 $0x1, s6  }
.LBB1_4:
0xc: {  	s15 =	sshll.u32 s9, $0x2;
	p1 =	sgt.s32 s9, $0x61A780  }
0xd: {  	s17 =	smov.u32 s9;
	s18 =	sshra.s32 s9, $0x1F;
	s16 =	sshrl.u32 s15, $0xB  }
0xe: {  	s17 =	simm.s32 @!p1 $0x61A780;
	s18 =	sand.u32 s18, s9;
	s16 =	smulhi.u32 $0x14F8B6, s16  }
0xf: {  	s19 =	sand.u32 $0x7F, s9;
	s15 =	sand.u32 $0xFFFFFE00, s15;
	s17 =	ssub.s32 s17, s18  }
0x10: {  	s17 =	sadd.s32 $0xFF9E5880, s17;
	s26 =	smul.u32 $0x61A800, s16  }
0x11: {  	s15 =	sor.u32 s19, s15;
	s16 =	sand.u32 $0x3, s16;
	s27 =	sshll.u32 s17, $0x4  }
0x12: {  	s28 =	ssub.s32 $0x800, s27;
	s16 =	smul.u32 $0xC3500, s16;
	s15 =	ssub.s32 s15, s26  }
0x13: {  	p1 =	sgt.s32 s17, $0x7F;
	s17 =	sshrl.u32 s28, $0x2;
	s29 =	sand.u32 $0x7, s15  }
0x14: {  	s15 =	sshrl.u32 s15, $0x3;
	s16 =	sadd.s32 s2, s16;
	s18 =	sshll.u32 s29, $0x12  }
0x15: {  	[tilespmem:s14+$0x0 ss:$0x81] =	vst.msk $0xffff, v0;
	s17 =	simm.s32 @p1 $0x0;
	s30 =	sadd.s32 s15, s16;
	s31 =	sor.u32 $0x200, s18  }
0x16: {  	[hbm4b:s30+s31] =	stream.strided.scatter [tilespmem:s13], [sflag:$0x2], s17, s8, s31, $0x20;
	[tilespmem:$0x4040] =	vst v63  }
.LBB1_5:
0x17: {  	p1 =	slt.u32 s11, $0x2  }
0x18: {  	p2 =	sgt.s32 @!p1 s12, $0x61A780  }
0x19: {  	s13 =	smov.u32 s12;
	s14 =	sshra.s32 @!p1 s12, $0x1F;
	p2 =	por !p2, p1  }
0x1a: {  	s12 =	sand.u32 @!p1 s14, s12;
	s13 =	simm.s32 @p2 $0x61A780  }
0x1b: {  	s12 =	ssub.s32 @!p1 s13, s12  }
0x1c: {  	s12 =	sadd.s32 @!p1 $0xFF9E5880, s12  }
0x1d: {  	s13 =	sshll.u32 @!p1 s12, $0x4  }
0x1e: {  	p2 =	sgt.s32 @!p1 s12, $0x7F;
	s12 =	ssub.s32 @!p1 $0x800, s13  }
0x1f: {  	s14 =	sadd.s32 $0x1000, s10;
	p2 =	por !p2, p1;
	s12 =	sshrl.u32 @!p1 s12, $0x2  }
0x20: {  	s12 =	simm.s32 @!p2 $0x0;
	p2 =	sgt.s32 s14, $0x61A7FF  }
0x21: {  	s14 =	smov.u32 @p2 s3;
	p2 =	sne.s32 s11, s7  }
.Ltmp1:
0x22: {  	_ = 	snop;
	(pc) =	sbr.rel @!p2 .LBB1_6-.Ltmp1, $4  }
0x23: {  	s13 =	simm.s32 @!p1 $0x2  }
0x24: {  	p0 =	por !p0, !p0;
	_ =	swait.ge @!p1 [sflag:s13], s12;
	s15 =	ssub.s32 @!p1 $0x0, s12  }
0x25: {  	s12 =	smov.u32 s9;
	s11 =	sadd.s32 $0x1, s11;
	[sflag:s13] =	ssyncset.done @!p1 $0x0  }
0x26: {  	s9 =	smov.u32 s10;
	s10 =	smov.u32 s14;
	[sflag:s13] =	ssyncadd.s32 @!p1 s15  }
.LBB1_1:
0x27: {  	p1 =	sge.u32 s11, s6  }
0x28: {  	s13 =	sand.u32 @!p1 $0x1FFFFFF, s10  }
0x29: {  	s14 =	smulhi.u32 @!p1 $0x14F8B59, s13;
	_ =	sdelay $0x1  }
0x2a: {  	s14 =	sshrl.u32 @!p1 s14, $0xF  }
0x2b: {  	s14 =	smul.u32 @!p1 $0x61A800, s14;
	_ =	sdelay $0x1  }
0x2c: {  	s31 =	sadd.s32 $0xFFFFFFFF, s11;
	s15 =	sxor.u32 @!p1 $0xFFFFFFFF, s11;
	s13 =	ssub.s32 @!p1 s13, s14  }
0x2d: {  	s16 =	simm.s32 @!p1 $0x80;
	s15 =	sshll.u32 @!p1 s15, $0xC;
	s13 =	sshll.u32 @!p1 s13, $0x4  }
0x2e: {  	s14 =	sand.u32 @!p1 $0x1000, s15;
	s15 =	simm.s32 @!p1 $0x20;
	s13 =	sadd.s32 @!p1 s5, s13  }
0x2f: {  	[tilespmem:s14], [sflag:$0x1] =	stream.strided.gather @!p1 [hbm4b:s13+s15], $0x1000, s16, s15, $0x38;
	[tilespmem:$0x4040] =	vst v63  }
0x30: {  	p1 =	sge.u32 s31, s6  }
.Ltmp2:
0x31: {  	_ = 	snop;
	(pc) =	sbr.rel @p1 .LBB1_5-.Ltmp2, $1  }
0x32: {  	_ =	sdelay $0x3  }
0x33: {  	s13 =	simm.s32 $0x1  }
0x34: {  	_ =	swait.ge [sflag:s4], $0x1000;
	s13 =	simm.s32 @!p0 $0x0  }
0x35: {  	[sflag:s4] =	ssyncset.done $0x0;
	s14 =	sshll.u32 s13, $0xC  }
0x36: {  	[sflag:s4] =	ssyncadd.s32 $0xFFFFF000;
	s17 =	sor.u32 $0x10, s14  }
0x37: {  	s13 =	smul.u32 $0x4080, s13;
	v1 =	vld [tilespmem:s17+$0x0]  }
0x38: {  	s30 =	sand.u32 $0x1, s11;
	v0 =	vld [tilespmem:s17+$0xFFFFFFF0]  }
0x39: {  	s14 =	smul.u32 $0x4080, s30;
	s13 =	sshrl.u32 s13, $0x2  }
0x3a: {  	s15 =	sor.u32 $0x2000, s13  }
0x3b: {  	s31 =	sshrl.u32 s14, $0x2;
	s14 =	sadd.s32 $0x0, s15  }
0x3c: {  	s16 =	simm.s32 $0x4;
	s17 =	sadd.s32 $0x20, s17;
	s13 =	sor.u32 $0x2000, s31;
	[tilespmem:s14+$0x810 ss:$0x81] =	vst.msk $0xffff, v1  }
.LBB1_3:
0x3d: {  	v1 =	vld [tilespmem:s17+$0x0];
	p1 =	sne.s32 s16, $0x1FC;
	[tilespmem:s14+$0x0 ss:$0x81] =	vst.msk $0xffff, v0;
	s14 =	smov.u32 s16;
	s16 =	sadd.s32 $0x4, s16  }
.Ltmp3:
0x3e: {  	v0 =	vld [tilespmem:s17+$0xFFFFFFF0];
	(pc) =	sbr.rel @p1 .LBB1_3-.Ltmp3, $4  }
0x3f: {  	_ = 	snop  }
0x40: {  	s14 =	sshra.s32 s14, $0x2  }
0x41: {  	s14 =	sadd.s32 s14, s15  }
0x42: {  	s17 =	sadd.s32 $0x20, s17;
	[tilespmem:s14+$0x810 ss:$0x81] =	vst.msk $0xffff, v1  }
.Ltmp4:
0x43: {  	_ = 	snop;
	(pc) =	sbr.rel .LBB1_4-.Ltmp4, $1  }
0x44: {  	_ =	sdelay $0x3  }
.LBB1_6:
0x45: {  	_ =	sfence.sel $0x180000  }
0x46: {  	s2 =	simm.s32 $0x1;
	[bflag:$0x0] =	sbarrier.arrive $0xFFFF  }
0x47: {  	s31 =	simm.s32 $0x2;
	[sflag:s2] =	ssyncpa.u1 $0x1  }
0x48: {  	[sflag:s31] =	ssyncpa.u1 $0x1  }
0x49: {  	p0 =	sne.s32 s0, $0x0;
	_ =	strace $0x9000004D  }
0x4a: {  	s0 =	sadd.s32 @!p0 $0x100000, s1;
	[bflag:$0x2] =	sbarrier.arrive $0xFFFF  }
0x4b: {  	[sflag:s0] =	ssyncadd.tile.s32 @!p0 $0x1;
	_ =	shalt  }
.Lfunc_end1:
_tile_overlayer_lowered:
.L_overlay_start_2:
0x4c: {  	(tag) =	ssettag $0x2  }
0x4d: {  	s0 =	rddreg [dreg:$0x0];
	s2 =	stileid.u32  }
0x4e: {  	s1 =	rddreg [dreg:$0x1];
	p0 =	sne.s32 s2, $0x0  }
0x4f: {  	s3 =	rddreg [dreg:$0x2];
	[bflag:$0x3] =	sbarrier.arrive $0xFFFF;
	s2 =	simm.s32 @!p0 $0x1C01  }
0x50: {  	[timem:s3], [sflag:s2] =	dma.local @!p0 [hbm:s0], s1  }
0x51: {  	s0 =	simm.s32 @!p0 $0x1  }
0x52: {  	_ =	swait.ge @!p0 [sflag:s0], s1  }
0x53: {  	s1 =	ssub.s32 @!p0 $0x0, s1;
	[sflag:s0] =	ssyncset.done @!p0 $0x0  }
0x54: {  	[sflag:s0] =	ssyncadd.s32 @!p0 s1  }
0x55: {  	[bflag:$0x3] =	sbarrier.arrive $0xFFFF  }
0x56: {  	_ =	shalt  }

</sc_bundles>
